<compile_context>
chip_gen: v7x
topology: tpu7x:2x2x1
jax: 0.10.2.dev20260603
libtpu: 0.0.44.dev20260713+nightly
codegen_flags: <defaults>
</compile_context>

<pallas_src>
import functools

import jax
import jax.numpy as jnp
from jax import lax
from jax.experimental import pallas as pl
from jax.experimental.pallas import tpu as pltpu, tpu_sc as plsc

NS = 16
NC = 2
NW = NC * NS
KK = 128
CW = 16


def _make_sc_agg(n_rows_acc, n_chunks, width, with_cnt):
  rpt = n_rows_acc // NS
  mesh = plsc.VectorSubcoreMesh(core_axis_name="c", subcore_axis_name="s")
  bf = jnp.bfloat16

  out_type = [jax.ShapeDtypeStruct((NC, n_rows_acc, width), bf)]
  scratch = [
      pltpu.VMEM((n_chunks, KK), jnp.int32),
      pltpu.VMEM((n_chunks, KK), jnp.int32),
      pltpu.VMEM((2, KK, width), bf),
      pltpu.VMEM_SHARED((n_rows_acc, width), bf),
      pltpu.VMEM_SHARED((n_rows_acc, width), bf),
      pltpu.SemaphoreType.DMA,
      pltpu.SemaphoreType.DMA,
  ]
  if with_cnt:
    out_type.append(jax.ShapeDtypeStruct((NC, n_rows_acc, CW), bf))
    scratch += [pltpu.VMEM((KK, CW), bf),
                pltpu.VMEM_SHARED((n_rows_acc, CW), bf)]

  @functools.partial(
      pl.kernel,
      out_type=out_type,
      mesh=mesh,
      compiler_params=pltpu.CompilerParams(use_tc_tiling_on_sc=False),
      scratch_types=scratch,
  )
  def sc_agg(tbl_hbm, edges_hbm, zeros_hbm, ones_hbm, *refs):
    if with_cnt:
      (out_hbm, cnt_out_hbm, src_v, dst_v, rows_v, acc_sh, tbl_sh,
       sem_a, sem_b, ones_v, cnt_sh) = refs
    else:
      (out_hbm, src_v, dst_v, rows_v, acc_sh, tbl_sh, sem_a, sem_b) = refs
    c = lax.axis_index("c")
    s = lax.axis_index("s")
    wid = c * NS + s
    row0 = s * rpt
    pltpu.sync_copy(zeros_hbm.at[pl.ds(row0, rpt), pl.ds(0, width)],
                    acc_sh.at[pl.ds(row0, rpt)])
    pltpu.sync_copy(tbl_hbm.at[pl.ds(row0, rpt)],
                    tbl_sh.at[pl.ds(row0, rpt)])
    pltpu.sync_copy(edges_hbm.at[0, pl.ds(wid * n_chunks, n_chunks)], src_v)
    pltpu.sync_copy(edges_hbm.at[1, pl.ds(wid * n_chunks, n_chunks)], dst_v)
    if with_cnt:
      pltpu.sync_copy(ones_hbm, ones_v)
      pltpu.sync_copy(zeros_hbm.at[pl.ds(row0, rpt), pl.ds(0, CW)],
                      cnt_sh.at[pl.ds(row0, rpt)])
    plsc.subcore_barrier()

    def gather(ci, buf, sem):
      return pltpu.make_async_copy(tbl_sh.at[src_v.at[ci]],
                                   rows_v.at[buf], sem)

    def scatter(ci, buf):
      pltpu.sync_copy(rows_v.at[buf], acc_sh.at[dst_v.at[ci]], add=True)
      if with_cnt:
        pltpu.sync_copy(ones_v, cnt_sh.at[dst_v.at[ci]], add=True)

    gather(0, 0, sem_a).start()

    def body(p, carry):
      ci = 2 * p

      @pl.when(ci + 1 < n_chunks)
      def _():
        gather(ci + 1, 1, sem_b).start()

      gather(ci, 0, sem_a).wait()
      scatter(ci, 0)

      @pl.when(ci + 2 < n_chunks)
      def _():
        gather(ci + 2, 0, sem_a).start()

      @pl.when(ci + 1 < n_chunks)
      def _():
        gather(ci + 1, 1, sem_b).wait()
        scatter(ci + 1, 1)

      return carry

    lax.fori_loop(0, -(-n_chunks // 2), body, 0)
    plsc.subcore_barrier()
    pltpu.sync_copy(acc_sh.at[pl.ds(row0, rpt)],
                    out_hbm.at[c, pl.ds(row0, rpt)])
    if with_cnt:
      pltpu.sync_copy(cnt_sh.at[pl.ds(row0, rpt)],
                      cnt_out_hbm.at[c, pl.ds(row0, rpt)])

  return sc_agg


def _tc1_body(pa_ref, x_ref, inv_ref, w1l_ref, b1_ref, w1r_ref, w2l_ref,
              w2r_ref, b2_ref, y_ref, r_ref, *, n, blk):
  agg = (pa_ref[0] + pa_ref[1]).astype(jnp.float32)
  inv = inv_ref[...]
  mean = agg * inv
  dims = (((1,), (1,)), ((), ()))
  f32 = jnp.float32
  bf = lambda a: a.astype(jnp.bfloat16)
  z = lax.dot_general(bf(mean), bf(w1l_ref[...]), dims,
                      preferred_element_type=f32)
  z = z + b1_ref[...] + lax.dot_general(bf(x_ref[...]), bf(w1r_ref[...]),
                                        dims, preferred_element_type=f32)
  z = jnp.maximum(z, 0.0)
  zb = bf(z)
  y = lax.dot_general(zb, bf(w2l_ref[...]), dims, preferred_element_type=f32)
  rows = pl.program_id(0) * blk + lax.broadcasted_iota(jnp.int32, (blk, 1), 0)
  y = jnp.where(rows < n, y, 0.0)
  y_ref[...] = y.astype(jnp.bfloat16)
  r_ref[...] = lax.dot_general(zb, bf(w2r_ref[...]), dims,
                               preferred_element_type=f32) + b2_ref[...]


def _tc2_body(pb_ref, inv_ref, r_ref, out_ref, *, out_dim, blk):
  agg = (pb_ref[0] + pb_ref[1]).astype(jnp.float32)
  out_ref[...] = agg * inv_ref[...] + r_ref[...]


def kernel(x, edge_index, W1_l, b1, W1_r, W2_l, b2, W2_r):
  n, d = x.shape
  h = W1_l.shape[0]
  out_dim = W2_l.shape[0]
  e = edge_index.shape[1]

  n_chunks = 8 * (-(-e // (NW * KK * 8)))
  e_pad = NW * KK * n_chunks
  edges = jnp.concatenate(
      [edge_index, jnp.full((2, e_pad - e), n, jnp.int32)],
      axis=1).reshape(2, NW * n_chunks, KK)

  n_acc = NS * 8 * (-(-(n + 1) // (NS * 8)))

  bfl = jnp.bfloat16
  tbl1 = jnp.pad(x.astype(bfl), ((0, n_acc - n), (0, 0)))
  zeros = jnp.zeros((n_acc, 128), bfl)
  ones_in = jnp.ones((KK, CW), bfl)

  sc1 = _make_sc_agg(n_acc, n_chunks, 128, True)
  pa, pcnt = sc1(tbl1, edges, zeros, ones_in)

  cnt = (pcnt[0, :, :1] + pcnt[1, :, :1]).astype(jnp.float32)
  inv = 1.0 / jnp.maximum(cnt, 1.0)

  xp = jnp.pad(x, ((0, n_acc - n), (0, 0)))

  blk1 = n_acc // 8
  full = lambda shape: pl.BlockSpec(shape, lambda i: (0,) * len(shape))
  y, r = pl.pallas_call(
      functools.partial(_tc1_body, n=n, blk=blk1),
      grid=(8,),
      in_specs=[
          pl.BlockSpec((NC, blk1, 128), lambda i: (0, i, 0)),
          pl.BlockSpec((blk1, d), lambda i: (i, 0)),
          pl.BlockSpec((blk1, 1), lambda i: (i, 0)),
          full((h, d)),
          full((1, h)),
          full((h, d)),
          full((out_dim, h)),
          full((out_dim, h)),
          full((1, out_dim)),
      ],
      out_specs=[
          pl.BlockSpec((blk1, out_dim), lambda i: (i, 0)),
          pl.BlockSpec((blk1, out_dim), lambda i: (i, 0)),
      ],
      out_shape=[
          jax.ShapeDtypeStruct((n_acc, out_dim), bfl),
          jax.ShapeDtypeStruct((n_acc, out_dim), jnp.float32),
      ],
  )(pa, xp, inv, W1_l, b1.reshape(1, h), W1_r, W2_l, W2_r,
    b2.reshape(1, out_dim))

  sc2 = _make_sc_agg(n_acc, n_chunks, out_dim, False)
  (pb,) = sc2(y, edges, zeros, ones_in)

  blk2 = n // 5
  out = pl.pallas_call(
      functools.partial(_tc2_body, out_dim=out_dim, blk=blk2),
      grid=(5,),
      in_specs=[
          pl.BlockSpec((NC, blk2, out_dim), lambda i: (0, i, 0)),
          pl.BlockSpec((blk2, 1), lambda i: (i, 0)),
          pl.BlockSpec((blk2, out_dim), lambda i: (i, 0)),
      ],
      out_specs=pl.BlockSpec((blk2, out_dim), lambda i: (i, 0)),
      out_shape=jax.ShapeDtypeStruct((n, out_dim), jnp.float32),
  )(pb, inv, r)
  return out

# --- scband reference (transcript-rebuilt; emitter-appended) ---
"""Pipeline reference for scband-recon-encoder-26680336843514 (READ-ONLY COPY).

The authoritative reference and input builder live on the scoring server;
editing this copy changes nothing except your own understanding.
"""

import jax, jax.numpy as jnp
import numpy as np

N = 10000
E = 320000
D = 128
H = 128
L = 64


def setup_inputs(seed: int = 0) -> dict:
    key = jax.random.key(seed)
    ks = jax.random.split(key, 10)
    x = jax.random.normal(ks[0], (N, D), dtype=jnp.float32)
    edge_index = jax.random.randint(ks[1], (2, E), 0, N, dtype=jnp.int32)
    # SAGEConv layer 1 params (PyG: lin_l has bias, lin_r has no bias)
    W1_l = jax.random.normal(ks[2], (H, D), dtype=jnp.float32) * (1.0 / np.sqrt(D))
    b1 = jnp.zeros((H,), dtype=jnp.float32)
    W1_r = jax.random.normal(ks[3], (H, D), dtype=jnp.float32) * (1.0 / np.sqrt(D))
    # SAGEConv layer 2 params
    W2_l = jax.random.normal(ks[4], (L, H), dtype=jnp.float32) * (1.0 / np.sqrt(H))
    b2 = jnp.zeros((L,), dtype=jnp.float32)
    W2_r = jax.random.normal(ks[5], (L, H), dtype=jnp.float32) * (1.0 / np.sqrt(H))
    return {"x": x, "edge_index": edge_index, "W1_l": W1_l, "b1": b1,
            "W1_r": W1_r, "W2_l": W2_l, "b2": b2, "W2_r": W2_r}


def _sage_conv(x, src, dst, W_l, b_l, W_r, n_nodes):
    # PyG SAGEConv with mean aggregation:
    # out = lin_l(mean_{j in N(i)} x_j) + lin_r(x_i)
    msgs = jnp.take(x, src, axis=0)                                   # gather  [E, d]
    agg = jax.ops.segment_sum(msgs, dst, num_segments=n_nodes)        # scatter-add
    cnt = jax.ops.segment_sum(jnp.ones((src.shape[0],), x.dtype), dst,
                              num_segments=n_nodes)
    mean = agg / jnp.clip(cnt, 1.0, None)[:, None]
    return mean @ W_l.T + b_l + x @ W_r.T


def reference(x, edge_index, W1_l, b1, W1_r, W2_l, b2, W2_r):
    src = edge_index[0]
    dst = edge_index[1]
    n = x.shape[0]
    z = _sage_conv(x, src, dst, W1_l, b1, W1_r, n)
    z = jax.nn.relu(z)
    z = _sage_conv(z, src, dst, W2_l, b2, W2_r, n)
    return z

if __name__ == "__main__":
    import jax
    _d = setup_inputs()
    print(jax.jit(kernel)(*tuple(_d.values())))

</pallas_src>

<mosaic_0001>
#map = affine_map<(d0, d1) -> (0, 0)>
#map1 = affine_map<(d0, d1) -> (0, 0, 0)>
module attributes {stable_mosaic.version = 14 : i64} {
  func.func @sc_agg(%arg0: i32, %arg1: i32, %arg2: memref<10112x128xbf16, #tpu.memory_space<hbm>>, %arg3: memref<2x2560x128xi32, #tpu.memory_space<hbm>>, %arg4: memref<10112x128xbf16, #tpu.memory_space<hbm>>, %arg5: memref<128x16xbf16, #tpu.memory_space<hbm>>, %arg6: memref<2x10112x128xbf16, #tpu.memory_space<hbm>>, %arg7: memref<2x10112x16xbf16, #tpu.memory_space<hbm>>, %arg8: memref<80x128xi32, #tpu.memory_space<vmem>>, %arg9: memref<80x128xi32, #tpu.memory_space<vmem>>, %arg10: memref<2x128x128xbf16, #tpu.memory_space<vmem>>, %arg11: memref<10112x128xbf16, #tpu.memory_space<vmem_shared>>, %arg12: memref<10112x128xbf16, #tpu.memory_space<vmem_shared>>, %arg13: memref<!tpu.dma_semaphore, #tpu.memory_space<semaphore_mem>>, %arg14: memref<!tpu.dma_semaphore, #tpu.memory_space<semaphore_mem>>, %arg15: memref<128x16xbf16, #tpu.memory_space<vmem>>, %arg16: memref<10112x16xbf16, #tpu.memory_space<vmem_shared>>) attributes {dimension_semantics = [#tpu.dimension_semantics<core_parallel>, #tpu.dimension_semantics<subcore_parallel>], iteration_bounds = array<i64: 2, 16>, scalar_prefetch = 0 : i64, scratch_operands = 9 : i64, tpu.core_type = #tpu.core_type<sc_vector_subcore>, window_params = [{transform_indices = #map}, {transform_indices = #map1}, {transform_indices = #map}, {transform_indices = #map}, {transform_indices = #map1}, {transform_indices = #map1}]} {
    %mul3A = arith.constant 16 : i32
    %mul3A_0 = arith.muli %arg0, %mul3A : i32
    %add3A = arith.addi %mul3A_0, %arg1 : i32
    %mul3A_1 = arith.constant 632 : i32
    %mul3A_2 = arith.muli %arg1, %mul3A_1 : i32
    "tpu.region"() ({
      %run_scoped3A_25 = tpu.sem_alloc : memref<!tpu.dma_semaphore, #tpu.memory_space<semaphore_mem>>
      %dma_start3A_26 = arith.constant 0 : i32
      %dma_start3A_27 = tpu.memref_slice %arg11[%mul3A_2, %dma_start3A_26] : memref<10112x128xbf16, #tpu.memory_space<vmem_shared>> -> memref<632x128xbf16, #tpu.memory_space<vmem_shared>>
      %dma_start3A_28 = arith.constant 0 : i32
      %dma_start3A_29 = tpu.memref_slice %arg4[%mul3A_2, %dma_start3A_28] : memref<10112x128xbf16, #tpu.memory_space<hbm>> -> memref<632x128xbf16, #tpu.memory_space<hbm>>
      tpu.enqueue_dma source(%dma_start3A_29 : memref<632x128xbf16, #tpu.memory_space<hbm>>) target(%dma_start3A_27 : memref<632x128xbf16, #tpu.memory_space<vmem_shared>>) target_semaphore(%run_scoped3A_25 : memref<!tpu.dma_semaphore, #tpu.memory_space<semaphore_mem>>)
      %dma_wait3A = arith.constant 0 : i32
      %dma_wait3A_30 = tpu.memref_slice %arg11[%mul3A_2, %dma_wait3A] : memref<10112x128xbf16, #tpu.memory_space<vmem_shared>> -> memref<632x128xbf16, #tpu.memory_space<vmem_shared>>
      %dma_wait3A_31 = arith.constant 0 : i32
      %dma_wait3A_32 = tpu.memref_slice %arg4[%mul3A_2, %dma_wait3A_31] : memref<10112x128xbf16, #tpu.memory_space<hbm>> -> memref<632x128xbf16, #tpu.memory_space<hbm>>
      tpu.wait_dma2 semaphore(%run_scoped3A_25 : memref<!tpu.dma_semaphore, #tpu.memory_space<semaphore_mem>>) src(%dma_wait3A_32 : memref<632x128xbf16, #tpu.memory_space<hbm>>) dst(%dma_wait3A_30 : memref<632x128xbf16, #tpu.memory_space<vmem_shared>>)
      tpu.yield
    }) : () -> ()
    "tpu.region"() ({
      %run_scoped3A_25 = tpu.sem_alloc : memref<!tpu.dma_semaphore, #tpu.memory_space<semaphore_mem>>
      %dma_start3A_26 = arith.constant 0 : i32
      %dma_start3A_27 = tpu.memref_slice %arg12[%mul3A_2, %dma_start3A_26] : memref<10112x128xbf16, #tpu.memory_space<vmem_shared>> -> memref<632x128xbf16, #tpu.memory_space<vmem_shared>>
      %dma_start3A_28 = arith.constant 0 : i32
      %dma_start3A_29 = tpu.memref_slice %arg2[%mul3A_2, %dma_start3A_28] : memref<10112x128xbf16, #tpu.memory_space<hbm>> -> memref<632x128xbf16, #tpu.memory_space<hbm>>
      tpu.enqueue_dma source(%dma_start3A_29 : memref<632x128xbf16, #tpu.memory_space<hbm>>) target(%dma_start3A_27 : memref<632x128xbf16, #tpu.memory_space<vmem_shared>>) target_semaphore(%run_scoped3A_25 : memref<!tpu.dma_semaphore, #tpu.memory_space<semaphore_mem>>)
      %dma_wait3A = arith.constant 0 : i32
      %dma_wait3A_30 = tpu.memref_slice %arg12[%mul3A_2, %dma_wait3A] : memref<10112x128xbf16, #tpu.memory_space<vmem_shared>> -> memref<632x128xbf16, #tpu.memory_space<vmem_shared>>
      %dma_wait3A_31 = arith.constant 0 : i32
      %dma_wait3A_32 = tpu.memref_slice %arg2[%mul3A_2, %dma_wait3A_31] : memref<10112x128xbf16, #tpu.memory_space<hbm>> -> memref<632x128xbf16, #tpu.memory_space<hbm>>
      tpu.wait_dma2 semaphore(%run_scoped3A_25 : memref<!tpu.dma_semaphore, #tpu.memory_space<semaphore_mem>>) src(%dma_wait3A_32 : memref<632x128xbf16, #tpu.memory_space<hbm>>) dst(%dma_wait3A_30 : memref<632x128xbf16, #tpu.memory_space<vmem_shared>>)
      tpu.yield
    }) : () -> ()
    %mul3A_3 = arith.constant 80 : i32
    %mul3A_4 = arith.muli %add3A, %mul3A_3 : i32
    %run_scoped3A = arith.constant 0 : i32
    "tpu.region"() ({
      %run_scoped3A_25 = tpu.sem_alloc : memref<!tpu.dma_semaphore, #tpu.memory_space<semaphore_mem>>
      %dma_start3A_26 = arith.constant 0 : i32
      %dma_start3A_27 = tpu.memref_slice %arg3[%run_scoped3A, %mul3A_4, %dma_start3A_26] : memref<2x2560x128xi32, #tpu.memory_space<hbm>> -> memref<1x80x128xi32, #tpu.memory_space<hbm>>
      %dma_start3A_28 = tpu.memref_squeeze %dma_start3A_27 : memref<1x80x128xi32, #tpu.memory_space<hbm>> -> memref<80x128xi32, #tpu.memory_space<hbm>>
      %dma_start3A_29 = arith.constant 0 : i32
      %dma_start3A_30 = tpu.memref_slice %arg3[%run_scoped3A, %mul3A_4, %dma_start3A_29] : memref<2x2560x128xi32, #tpu.memory_space<hbm>> -> memref<1x80x128xi32, #tpu.memory_space<hbm>>
      %dma_start3A_31 = tpu.memref_squeeze %dma_start3A_30 : memref<1x80x128xi32, #tpu.memory_space<hbm>> -> memref<80x128xi32, #tpu.memory_space<hbm>>
      tpu.enqueue_dma source(%dma_start3A_31 : memref<80x128xi32, #tpu.memory_space<hbm>>) target(%arg8 : memref<80x128xi32, #tpu.memory_space<vmem>>) target_semaphore(%run_scoped3A_25 : memref<!tpu.dma_semaphore, #tpu.memory_space<semaphore_mem>>)
      %dma_wait3A = arith.constant 0 : i32
      %dma_wait3A_32 = tpu.memref_slice %arg3[%run_scoped3A, %mul3A_4, %dma_wait3A] : memref<2x2560x128xi32, #tpu.memory_space<hbm>> -> memref<1x80x128xi32, #tpu.memory_space<hbm>>
      %dma_wait3A_33 = tpu.memref_squeeze %dma_wait3A_32 : memref<1x80x128xi32, #tpu.memory_space<hbm>> -> memref<80x128xi32, #tpu.memory_space<hbm>>
      %dma_wait3A_34 = arith.constant 0 : i32
      %dma_wait3A_35 = tpu.memref_slice %arg3[%run_scoped3A, %mul3A_4, %dma_wait3A_34] : memref<2x2560x128xi32, #tpu.memory_space<hbm>> -> memref<1x80x128xi32, #tpu.memory_space<hbm>>
      %dma_wait3A_36 = tpu.memref_squeeze %dma_wait3A_35 : memref<1x80x128xi32, #tpu.memory_space<hbm>> -> memref<80x128xi32, #tpu.memory_space<hbm>>
      tpu.wait_dma2 semaphore(%run_scoped3A_25 : memref<!tpu.dma_semaphore, #tpu.memory_space<semaphore_mem>>) src(%dma_wait3A_36 : memref<80x128xi32, #tpu.memory_space<hbm>>) dst(%arg8 : memref<80x128xi32, #tpu.memory_space<vmem>>)
      tpu.yield
    }) : () -> ()
    %mul3A_5 = arith.constant 80 : i32
    %mul3A_6 = arith.muli %add3A, %mul3A_5 : i32
    %run_scoped3A_7 = arith.constant 1 : i32
    "tpu.region"() ({
      %run_scoped3A_25 = tpu.sem_alloc : memref<!tpu.dma_semaphore, #tpu.memory_space<semaphore_mem>>
      %dma_start3A_26 = arith.constant 0 : i32
      %dma_start3A_27 = tpu.memref_slice %arg3[%run_scoped3A_7, %mul3A_6, %dma_start3A_26] : memref<2x2560x128xi32, #tpu.memory_space<hbm>> -> memref<1x80x128xi32, #tpu.memory_space<hbm>>
      %dma_start3A_28 = tpu.memref_squeeze %dma_start3A_27 : memref<1x80x128xi32, #tpu.memory_space<hbm>> -> memref<80x128xi32, #tpu.memory_space<hbm>>
      %dma_start3A_29 = arith.constant 0 : i32
      %dma_start3A_30 = tpu.memref_slice %arg3[%run_scoped3A_7, %mul3A_6, %dma_start3A_29] : memref<2x2560x128xi32, #tpu.memory_space<hbm>> -> memref<1x80x128xi32, #tpu.memory_space<hbm>>
      %dma_start3A_31 = tpu.memref_squeeze %dma_start3A_30 : memref<1x80x128xi32, #tpu.memory_space<hbm>> -> memref<80x128xi32, #tpu.memory_space<hbm>>
      tpu.enqueue_dma source(%dma_start3A_31 : memref<80x128xi32, #tpu.memory_space<hbm>>) target(%arg9 : memref<80x128xi32, #tpu.memory_space<vmem>>) target_semaphore(%run_scoped3A_25 : memref<!tpu.dma_semaphore, #tpu.memory_space<semaphore_mem>>)
      %dma_wait3A = arith.constant 0 : i32
      %dma_wait3A_32 = tpu.memref_slice %arg3[%run_scoped3A_7, %mul3A_6, %dma_wait3A] : memref<2x2560x128xi32, #tpu.memory_space<hbm>> -> memref<1x80x128xi32, #tpu.memory_space<hbm>>
      %dma_wait3A_33 = tpu.memref_squeeze %dma_wait3A_32 : memref<1x80x128xi32, #tpu.memory_space<hbm>> -> memref<80x128xi32, #tpu.memory_space<hbm>>
      %dma_wait3A_34 = arith.constant 0 : i32
      %dma_wait3A_35 = tpu.memref_slice %arg3[%run_scoped3A_7, %mul3A_6, %dma_wait3A_34] : memref<2x2560x128xi32, #tpu.memory_space<hbm>> -> memref<1x80x128xi32, #tpu.memory_space<hbm>>
      %dma_wait3A_36 = tpu.memref_squeeze %dma_wait3A_35 : memref<1x80x128xi32, #tpu.memory_space<hbm>> -> memref<80x128xi32, #tpu.memory_space<hbm>>
      tpu.wait_dma2 semaphore(%run_scoped3A_25 : memref<!tpu.dma_semaphore, #tpu.memory_space<semaphore_mem>>) src(%dma_wait3A_36 : memref<80x128xi32, #tpu.memory_space<hbm>>) dst(%arg9 : memref<80x128xi32, #tpu.memory_space<vmem>>)
      tpu.yield
    }) : () -> ()
    "tpu.region"() ({
      %run_scoped3A_25 = tpu.sem_alloc : memref<!tpu.dma_semaphore, #tpu.memory_space<semaphore_mem>>
      tpu.enqueue_dma source(%arg5 : memref<128x16xbf16, #tpu.memory_space<hbm>>) target(%arg15 : memref<128x16xbf16, #tpu.memory_space<vmem>>) target_semaphore(%run_scoped3A_25 : memref<!tpu.dma_semaphore, #tpu.memory_space<semaphore_mem>>)
      tpu.wait_dma2 semaphore(%run_scoped3A_25 : memref<!tpu.dma_semaphore, #tpu.memory_space<semaphore_mem>>) src(%arg5 : memref<128x16xbf16, #tpu.memory_space<hbm>>) dst(%arg15 : memref<128x16xbf16, #tpu.memory_space<vmem>>)
      tpu.yield
    }) : () -> ()
    "tpu.region"() ({
      %run_scoped3A_25 = tpu.sem_alloc : memref<!tpu.dma_semaphore, #tpu.memory_space<semaphore_mem>>
      %dma_start3A_26 = arith.constant 0 : i32
      %dma_start3A_27 = tpu.memref_slice %arg16[%mul3A_2, %dma_start3A_26] : memref<10112x16xbf16, #tpu.memory_space<vmem_shared>> -> memref<632x16xbf16, #tpu.memory_space<vmem_shared>>
      %dma_start3A_28 = arith.constant 0 : i32
      %dma_start3A_29 = tpu.memref_slice %arg4[%mul3A_2, %dma_start3A_28] : memref<10112x128xbf16, #tpu.memory_space<hbm>> -> memref<632x16xbf16, #tpu.memory_space<hbm>>
      tpu.enqueue_dma source(%dma_start3A_29 : memref<632x16xbf16, #tpu.memory_space<hbm>>) target(%dma_start3A_27 : memref<632x16xbf16, #tpu.memory_space<vmem_shared>>) target_semaphore(%run_scoped3A_25 : memref<!tpu.dma_semaphore, #tpu.memory_space<semaphore_mem>>)
      %dma_wait3A = arith.constant 0 : i32
      %dma_wait3A_30 = tpu.memref_slice %arg16[%mul3A_2, %dma_wait3A] : memref<10112x16xbf16, #tpu.memory_space<vmem_shared>> -> memref<632x16xbf16, #tpu.memory_space<vmem_shared>>
      %dma_wait3A_31 = arith.constant 0 : i32
      %dma_wait3A_32 = tpu.memref_slice %arg4[%mul3A_2, %dma_wait3A_31] : memref<10112x128xbf16, #tpu.memory_space<hbm>> -> memref<632x16xbf16, #tpu.memory_space<hbm>>
      tpu.wait_dma2 semaphore(%run_scoped3A_25 : memref<!tpu.dma_semaphore, #tpu.memory_space<semaphore_mem>>) src(%dma_wait3A_32 : memref<632x16xbf16, #tpu.memory_space<hbm>>) dst(%dma_wait3A_30 : memref<632x16xbf16, #tpu.memory_space<vmem_shared>>)
      tpu.yield
    }) : () -> ()
    %barrier3A = arith.constant 0 : index
    tpu.barrier barrier_id(%barrier3A)
    %dma_start3A = arith.constant 0 : i32
    %dma_start3A_8 = arith.constant 0 : i32
    %dma_start3A_9 = arith.constant 0 : i32
    %dma_start3A_10 = arith.constant 0 : i32
    %dma_start3A_11 = tpu.memref_slice %arg10[%dma_start3A_8, %dma_start3A_9, %dma_start3A_10] : memref<2x128x128xbf16, #tpu.memory_space<vmem>> -> memref<1x128x128xbf16, #tpu.memory_space<vmem>>
    %dma_start3A_12 = tpu.memref_squeeze %dma_start3A_11 : memref<1x128x128xbf16, #tpu.memory_space<vmem>> -> memref<128x128xbf16, #tpu.memory_space<vmem>>
    %dma_start3A_13 = arith.constant 0 : i32
    %dma_start3A_14 = tpu.memref_slice %arg8[%dma_start3A, %dma_start3A_13] : memref<80x128xi32, #tpu.memory_space<vmem>> -> memref<1x128xi32, #tpu.memory_space<vmem>>
    %dma_start3A_15 = tpu.memref_squeeze %dma_start3A_14 : memref<1x128xi32, #tpu.memory_space<vmem>> -> memref<128xi32, #tpu.memory_space<vmem>>
    %dma_start3A_16 = arith.constant 0 : i32
    %dma_start3A_17 = arith.constant 0 : i32
    %dma_start3A_18 = tpu.memref_slice %arg12[%dma_start3A_16, %dma_start3A_17] : memref<10112x128xbf16, #tpu.memory_space<vmem_shared>> -> memref<10112x128xbf16, #tpu.memory_space<vmem_shared>>
    tpu.enqueue_indirect_dma source(%dma_start3A_18 : memref<10112x128xbf16, #tpu.memory_space<vmem_shared>>) target(%dma_start3A_12 : memref<128x128xbf16, #tpu.memory_space<vmem>>) offsets(%dma_start3A_15 : memref<128xi32, #tpu.memory_space<vmem>>) semaphore(%arg13 : memref<!tpu.dma_semaphore, #tpu.memory_space<semaphore_mem>>)
    %scan3A = arith.constant 0 : i32
    %scan3A_19 = arith.constant 0 : i32
    %scan3A_20 = arith.constant 40 : i32
    %scan3A_21 = arith.addi %scan3A_19, %scan3A_20 : i32
    %scan3A_22 = arith.constant 1 : i32
    scf.for %scan3A_25 = %scan3A_19 to %scan3A_21 step %scan3A_22  : i32 {
      %mul3A_26 = arith.constant 2 : i32
      %mul3A_27 = arith.muli %mul3A_26, %scan3A_25 : i32
      %add3A_28 = arith.constant 1 : i32
      %add3A_29 = arith.addi %mul3A_27, %add3A_28 : i32
      %lt3A = arith.constant 80 : i32
      %lt3A_30 = arith.cmpi slt, %add3A_29, %lt3A : i32
      %convert_element_type3A = arith.extui %lt3A_30 : i1 to i32
      %cond3A = arith.constant 0 : i32
      %cond3A_31 = arith.cmpi ne, %convert_element_type3A, %cond3A : i32
      scf.if %cond3A_31 {
        %add3A_57 = arith.constant 1 : i32
        %add3A_58 = arith.addi %mul3A_27, %add3A_57 : i32
        %dma_start3A_59 = arith.constant 1 : i32
        %dma_start3A_60 = arith.constant 0 : i32
        %dma_start3A_61 = arith.constant 0 : i32
        %dma_start3A_62 = tpu.memref_slice %arg10[%dma_start3A_59, %dma_start3A_60, %dma_start3A_61] : memref<2x128x128xbf16, #tpu.memory_space<vmem>> -> memref<1x128x128xbf16, #tpu.memory_space<vmem>>
        %dma_start3A_63 = tpu.memref_squeeze %dma_start3A_62 : memref<1x128x128xbf16, #tpu.memory_space<vmem>> -> memref<128x128xbf16, #tpu.memory_space<vmem>>
        %dma_start3A_64 = arith.constant 0 : i32
        %dma_start3A_65 = tpu.memref_slice %arg8[%add3A_58, %dma_start3A_64] : memref<80x128xi32, #tpu.memory_space<vmem>> -> memref<1x128xi32, #tpu.memory_space<vmem>>
        %dma_start3A_66 = tpu.memref_squeeze %dma_start3A_65 : memref<1x128xi32, #tpu.memory_space<vmem>> -> memref<128xi32, #tpu.memory_space<vmem>>
        %dma_start3A_67 = arith.constant 0 : i32
        %dma_start3A_68 = arith.constant 0 : i32
        %dma_start3A_69 = tpu.memref_slice %arg12[%dma_start3A_67, %dma_start3A_68] : memref<10112x128xbf16, #tpu.memory_space<vmem_shared>> -> memref<10112x128xbf16, #tpu.memory_space<vmem_shared>>
        tpu.enqueue_indirect_dma source(%dma_start3A_69 : memref<10112x128xbf16, #tpu.memory_space<vmem_shared>>) target(%dma_start3A_63 : memref<128x128xbf16, #tpu.memory_space<vmem>>) offsets(%dma_start3A_66 : memref<128xi32, #tpu.memory_space<vmem>>) semaphore(%arg14 : memref<!tpu.dma_semaphore, #tpu.memory_space<semaphore_mem>>)
      } else {
      }
      %dma_wait3A = arith.constant 0 : i32
      %dma_wait3A_32 = arith.constant 0 : i32
      %dma_wait3A_33 = arith.constant 0 : i32
      %dma_wait3A_34 = tpu.memref_slice %arg10[%dma_wait3A, %dma_wait3A_32, %dma_wait3A_33] : memref<2x128x128xbf16, #tpu.memory_space<vmem>> -> memref<1x128x128xbf16, #tpu.memory_space<vmem>>
      %dma_wait3A_35 = tpu.memref_squeeze %dma_wait3A_34 : memref<1x128x128xbf16, #tpu.memory_space<vmem>> -> memref<128x128xbf16, #tpu.memory_space<vmem>>
      %dma_wait3A_36 = arith.constant 0 : i32
      %dma_wait3A_37 = tpu.memref_slice %arg8[%mul3A_27, %dma_wait3A_36] : memref<80x128xi32, #tpu.memory_space<vmem>> -> memref<1x128xi32, #tpu.memory_space<vmem>>
      %dma_wait3A_38 = tpu.memref_squeeze %dma_wait3A_37 : memref<1x128xi32, #tpu.memory_space<vmem>> -> memref<128xi32, #tpu.memory_space<vmem>>
      %dma_wait3A_39 = arith.constant 0 : i32
      %dma_wait3A_40 = arith.constant 0 : i32
      %dma_wait3A_41 = tpu.memref_slice %arg12[%dma_wait3A_39, %dma_wait3A_40] : memref<10112x128xbf16, #tpu.memory_space<vmem_shared>> -> memref<10112x128xbf16, #tpu.memory_space<vmem_shared>>
      tpu.wait_indirect_dma semaphore(%arg13 : memref<!tpu.dma_semaphore, #tpu.memory_space<semaphore_mem>>) src(%dma_wait3A_41 : memref<10112x128xbf16, #tpu.memory_space<vmem_shared>>) dst(%dma_wait3A_35 : memref<128x128xbf16, #tpu.memory_space<vmem>>)
      %run_scoped3A_42 = arith.constant 0 : i32
      "tpu.region"() ({
        %run_scoped3A_57 = tpu.sem_alloc : memref<!tpu.dma_semaphore, #tpu.memory_space<semaphore_mem>>
        %dma_start3A_58 = arith.constant 0 : i32
        %dma_start3A_59 = arith.constant 0 : i32
        %dma_start3A_60 = tpu.memref_slice %arg10[%run_scoped3A_42, %dma_start3A_58, %dma_start3A_59] : memref<2x128x128xbf16, #tpu.memory_space<vmem>> -> memref<1x128x128xbf16, #tpu.memory_space<vmem>>
        %dma_start3A_61 = tpu.memref_squeeze %dma_start3A_60 : memref<1x128x128xbf16, #tpu.memory_space<vmem>> -> memref<128x128xbf16, #tpu.memory_space<vmem>>
        %dma_start3A_62 = arith.constant 0 : i32
        %dma_start3A_63 = tpu.memref_slice %arg9[%mul3A_27, %dma_start3A_62] : memref<80x128xi32, #tpu.memory_space<vmem>> -> memref<1x128xi32, #tpu.memory_space<vmem>>
        %dma_start3A_64 = tpu.memref_squeeze %dma_start3A_63 : memref<1x128xi32, #tpu.memory_space<vmem>> -> memref<128xi32, #tpu.memory_space<vmem>>
        %dma_start3A_65 = arith.constant 0 : i32
        %dma_start3A_66 = arith.constant 0 : i32
        %dma_start3A_67 = tpu.memref_slice %arg11[%dma_start3A_65, %dma_start3A_66] : memref<10112x128xbf16, #tpu.memory_space<vmem_shared>> -> memref<10112x128xbf16, #tpu.memory_space<vmem_shared>>
        tpu.enqueue_indirect_dma source(%dma_start3A_61 : memref<128x128xbf16, #tpu.memory_space<vmem>>) target(%dma_start3A_67 : memref<10112x128xbf16, #tpu.memory_space<vmem_shared>>) offsets(%dma_start3A_64 : memref<128xi32, #tpu.memory_space<vmem>>) semaphore(%run_scoped3A_57 : memref<!tpu.dma_semaphore, #tpu.memory_space<semaphore_mem>>) {add = true}
        %dma_wait3A_68 = arith.constant 0 : i32
        %dma_wait3A_69 = arith.constant 0 : i32
        %dma_wait3A_70 = tpu.memref_slice %arg10[%run_scoped3A_42, %dma_wait3A_68, %dma_wait3A_69] : memref<2x128x128xbf16, #tpu.memory_space<vmem>> -> memref<1x128x128xbf16, #tpu.memory_space<vmem>>
        %dma_wait3A_71 = tpu.memref_squeeze %dma_wait3A_70 : memref<1x128x128xbf16, #tpu.memory_space<vmem>> -> memref<128x128xbf16, #tpu.memory_space<vmem>>
        %dma_wait3A_72 = arith.constant 0 : i32
        %dma_wait3A_73 = tpu.memref_slice %arg9[%mul3A_27, %dma_wait3A_72] : memref<80x128xi32, #tpu.memory_space<vmem>> -> memref<1x128xi32, #tpu.memory_space<vmem>>
        %dma_wait3A_74 = tpu.memref_squeeze %dma_wait3A_73 : memref<1x128xi32, #tpu.memory_space<vmem>> -> memref<128xi32, #tpu.memory_space<vmem>>
        %dma_wait3A_75 = arith.constant 0 : i32
        %dma_wait3A_76 = arith.constant 0 : i32
        %dma_wait3A_77 = tpu.memref_slice %arg11[%dma_wait3A_75, %dma_wait3A_76] : memref<10112x128xbf16, #tpu.memory_space<vmem_shared>> -> memref<10112x128xbf16, #tpu.memory_space<vmem_shared>>
        tpu.wait_indirect_dma semaphore(%run_scoped3A_57 : memref<!tpu.dma_semaphore, #tpu.memory_space<semaphore_mem>>) src(%dma_wait3A_71 : memref<128x128xbf16, #tpu.memory_space<vmem>>) dst(%dma_wait3A_77 : memref<10112x128xbf16, #tpu.memory_space<vmem_shared>>)
        tpu.yield
      }) : () -> ()
      "tpu.region"() ({
        %run_scoped3A_57 = tpu.sem_alloc : memref<!tpu.dma_semaphore, #tpu.memory_space<semaphore_mem>>
        %dma_start3A_58 = arith.constant 0 : i32
        %dma_start3A_59 = tpu.memref_slice %arg9[%mul3A_27, %dma_start3A_58] : memref<80x128xi32, #tpu.memory_space<vmem>> -> memref<1x128xi32, #tpu.memory_space<vmem>>
        %dma_start3A_60 = tpu.memref_squeeze %dma_start3A_59 : memref<1x128xi32, #tpu.memory_space<vmem>> -> memref<128xi32, #tpu.memory_space<vmem>>
        %dma_start3A_61 = arith.constant 0 : i32
        %dma_start3A_62 = arith.constant 0 : i32
        %dma_start3A_63 = tpu.memref_slice %arg16[%dma_start3A_61, %dma_start3A_62] : memref<10112x16xbf16, #tpu.memory_space<vmem_shared>> -> memref<10112x16xbf16, #tpu.memory_space<vmem_shared>>
        tpu.enqueue_indirect_dma source(%arg15 : memref<128x16xbf16, #tpu.memory_space<vmem>>) target(%dma_start3A_63 : memref<10112x16xbf16, #tpu.memory_space<vmem_shared>>) offsets(%dma_start3A_60 : memref<128xi32, #tpu.memory_space<vmem>>) semaphore(%run_scoped3A_57 : memref<!tpu.dma_semaphore, #tpu.memory_space<semaphore_mem>>) {add = true}
        %dma_wait3A_64 = arith.constant 0 : i32
        %dma_wait3A_65 = tpu.memref_slice %arg9[%mul3A_27, %dma_wait3A_64] : memref<80x128xi32, #tpu.memory_space<vmem>> -> memref<1x128xi32, #tpu.memory_space<vmem>>
        %dma_wait3A_66 = tpu.memref_squeeze %dma_wait3A_65 : memref<1x128xi32, #tpu.memory_space<vmem>> -> memref<128xi32, #tpu.memory_space<vmem>>
        %dma_wait3A_67 = arith.constant 0 : i32
        %dma_wait3A_68 = arith.constant 0 : i32
        %dma_wait3A_69 = tpu.memref_slice %arg16[%dma_wait3A_67, %dma_wait3A_68] : memref<10112x16xbf16, #tpu.memory_space<vmem_shared>> -> memref<10112x16xbf16, #tpu.memory_space<vmem_shared>>
        tpu.wait_indirect_dma semaphore(%run_scoped3A_57 : memref<!tpu.dma_semaphore, #tpu.memory_space<semaphore_mem>>) src(%arg15 : memref<128x16xbf16, #tpu.memory_space<vmem>>) dst(%dma_wait3A_69 : memref<10112x16xbf16, #tpu.memory_space<vmem_shared>>)
        tpu.yield
      }) : () -> ()
      %add3A_43 = arith.constant 2 : i32
      %add3A_44 = arith.addi %mul3A_27, %add3A_43 : i32
      %lt3A_45 = arith.constant 80 : i32
      %lt3A_46 = arith.cmpi slt, %add3A_44, %lt3A_45 : i32
      %convert_element_type3A_47 = arith.extui %lt3A_46 : i1 to i32
      %cond3A_48 = arith.constant 0 : i32
      %cond3A_49 = arith.cmpi ne, %convert_element_type3A_47, %cond3A_48 : i32
      scf.if %cond3A_49 {
        %add3A_57 = arith.constant 2 : i32
        %add3A_58 = arith.addi %mul3A_27, %add3A_57 : i32
        %dma_start3A_59 = arith.constant 0 : i32
        %dma_start3A_60 = arith.constant 0 : i32
        %dma_start3A_61 = arith.constant 0 : i32
        %dma_start3A_62 = tpu.memref_slice %arg10[%dma_start3A_59, %dma_start3A_60, %dma_start3A_61] : memref<2x128x128xbf16, #tpu.memory_space<vmem>> -> memref<1x128x128xbf16, #tpu.memory_space<vmem>>
        %dma_start3A_63 = tpu.memref_squeeze %dma_start3A_62 : memref<1x128x128xbf16, #tpu.memory_space<vmem>> -> memref<128x128xbf16, #tpu.memory_space<vmem>>
        %dma_start3A_64 = arith.constant 0 : i32
        %dma_start3A_65 = tpu.memref_slice %arg8[%add3A_58, %dma_start3A_64] : memref<80x128xi32, #tpu.memory_space<vmem>> -> memref<1x128xi32, #tpu.memory_space<vmem>>
        %dma_start3A_66 = tpu.memref_squeeze %dma_start3A_65 : memref<1x128xi32, #tpu.memory_space<vmem>> -> memref<128xi32, #tpu.memory_space<vmem>>
        %dma_start3A_67 = arith.constant 0 : i32
        %dma_start3A_68 = arith.constant 0 : i32
        %dma_start3A_69 = tpu.memref_slice %arg12[%dma_start3A_67, %dma_start3A_68] : memref<10112x128xbf16, #tpu.memory_space<vmem_shared>> -> memref<10112x128xbf16, #tpu.memory_space<vmem_shared>>
        tpu.enqueue_indirect_dma source(%dma_start3A_69 : memref<10112x128xbf16, #tpu.memory_space<vmem_shared>>) target(%dma_start3A_63 : memref<128x128xbf16, #tpu.memory_space<vmem>>) offsets(%dma_start3A_66 : memref<128xi32, #tpu.memory_space<vmem>>) semaphore(%arg13 : memref<!tpu.dma_semaphore, #tpu.memory_space<semaphore_mem>>)
      } else {
      }
      %add3A_50 = arith.constant 1 : i32
      %add3A_51 = arith.addi %mul3A_27, %add3A_50 : i32
      %lt3A_52 = arith.constant 80 : i32
      %lt3A_53 = arith.cmpi slt, %add3A_51, %lt3A_52 : i32
      %convert_element_type3A_54 = arith.extui %lt3A_53 : i1 to i32
      %cond3A_55 = arith.constant 0 : i32
      %cond3A_56 = arith.cmpi ne, %convert_element_type3A_54, %cond3A_55 : i32
      scf.if %cond3A_56 {
        %add3A_57 = arith.constant 1 : i32
        %add3A_58 = arith.addi %mul3A_27, %add3A_57 : i32
        %dma_wait3A_59 = arith.constant 1 : i32
        %dma_wait3A_60 = arith.constant 0 : i32
        %dma_wait3A_61 = arith.constant 0 : i32
        %dma_wait3A_62 = tpu.memref_slice %arg10[%dma_wait3A_59, %dma_wait3A_60, %dma_wait3A_61] : memref<2x128x128xbf16, #tpu.memory_space<vmem>> -> memref<1x128x128xbf16, #tpu.memory_space<vmem>>
        %dma_wait3A_63 = tpu.memref_squeeze %dma_wait3A_62 : memref<1x128x128xbf16, #tpu.memory_space<vmem>> -> memref<128x128xbf16, #tpu.memory_space<vmem>>
        %dma_wait3A_64 = arith.constant 0 : i32
        %dma_wait3A_65 = tpu.memref_slice %arg8[%add3A_58, %dma_wait3A_64] : memref<80x128xi32, #tpu.memory_space<vmem>> -> memref<1x128xi32, #tpu.memory_space<vmem>>
        %dma_wait3A_66 = tpu.memref_squeeze %dma_wait3A_65 : memref<1x128xi32, #tpu.memory_space<vmem>> -> memref<128xi32, #tpu.memory_space<vmem>>
        %dma_wait3A_67 = arith.constant 0 : i32
        %dma_wait3A_68 = arith.constant 0 : i32
        %dma_wait3A_69 = tpu.memref_slice %arg12[%dma_wait3A_67, %dma_wait3A_68] : memref<10112x128xbf16, #tpu.memory_space<vmem_shared>> -> memref<10112x128xbf16, #tpu.memory_space<vmem_shared>>
        tpu.wait_indirect_dma semaphore(%arg14 : memref<!tpu.dma_semaphore, #tpu.memory_space<semaphore_mem>>) src(%dma_wait3A_69 : memref<10112x128xbf16, #tpu.memory_space<vmem_shared>>) dst(%dma_wait3A_63 : memref<128x128xbf16, #tpu.memory_space<vmem>>)
        %add3A_70 = arith.constant 1 : i32
        %add3A_71 = arith.addi %mul3A_27, %add3A_70 : i32
        %run_scoped3A_72 = arith.constant 1 : i32
        "tpu.region"() ({
          %run_scoped3A_73 = tpu.sem_alloc : memref<!tpu.dma_semaphore, #tpu.memory_space<semaphore_mem>>
          %dma_start3A_74 = arith.constant 0 : i32
          %dma_start3A_75 = arith.constant 0 : i32
          %dma_start3A_76 = tpu.memref_slice %arg10[%run_scoped3A_72, %dma_start3A_74, %dma_start3A_75] : memref<2x128x128xbf16, #tpu.memory_space<vmem>> -> memref<1x128x128xbf16, #tpu.memory_space<vmem>>
          %dma_start3A_77 = tpu.memref_squeeze %dma_start3A_76 : memref<1x128x128xbf16, #tpu.memory_space<vmem>> -> memref<128x128xbf16, #tpu.memory_space<vmem>>
          %dma_start3A_78 = arith.constant 0 : i32
          %dma_start3A_79 = tpu.memref_slice %arg9[%add3A_71, %dma_start3A_78] : memref<80x128xi32, #tpu.memory_space<vmem>> -> memref<1x128xi32, #tpu.memory_space<vmem>>
          %dma_start3A_80 = tpu.memref_squeeze %dma_start3A_79 : memref<1x128xi32, #tpu.memory_space<vmem>> -> memref<128xi32, #tpu.memory_space<vmem>>
          %dma_start3A_81 = arith.constant 0 : i32
          %dma_start3A_82 = arith.constant 0 : i32
          %dma_start3A_83 = tpu.memref_slice %arg11[%dma_start3A_81, %dma_start3A_82] : memref<10112x128xbf16, #tpu.memory_space<vmem_shared>> -> memref<10112x128xbf16, #tpu.memory_space<vmem_shared>>
          tpu.enqueue_indirect_dma source(%dma_start3A_77 : memref<128x128xbf16, #tpu.memory_space<vmem>>) target(%dma_start3A_83 : memref<10112x128xbf16, #tpu.memory_space<vmem_shared>>) offsets(%dma_start3A_80 : memref<128xi32, #tpu.memory_space<vmem>>) semaphore(%run_scoped3A_73 : memref<!tpu.dma_semaphore, #tpu.memory_space<semaphore_mem>>) {add = true}
          %dma_wait3A_84 = arith.constant 0 : i32
          %dma_wait3A_85 = arith.constant 0 : i32
          %dma_wait3A_86 = tpu.memref_slice %arg10[%run_scoped3A_72, %dma_wait3A_84, %dma_wait3A_85] : memref<2x128x128xbf16, #tpu.memory_space<vmem>> -> memref<1x128x128xbf16, #tpu.memory_space<vmem>>
          %dma_wait3A_87 = tpu.memref_squeeze %dma_wait3A_86 : memref<1x128x128xbf16, #tpu.memory_space<vmem>> -> memref<128x128xbf16, #tpu.memory_space<vmem>>
          %dma_wait3A_88 = arith.constant 0 : i32
          %dma_wait3A_89 = tpu.memref_slice %arg9[%add3A_71, %dma_wait3A_88] : memref<80x128xi32, #tpu.memory_space<vmem>> -> memref<1x128xi32, #tpu.memory_space<vmem>>
          %dma_wait3A_90 = tpu.memref_squeeze %dma_wait3A_89 : memref<1x128xi32, #tpu.memory_space<vmem>> -> memref<128xi32, #tpu.memory_space<vmem>>
          %dma_wait3A_91 = arith.constant 0 : i32
          %dma_wait3A_92 = arith.constant 0 : i32
          %dma_wait3A_93 = tpu.memref_slice %arg11[%dma_wait3A_91, %dma_wait3A_92] : memref<10112x128xbf16, #tpu.memory_space<vmem_shared>> -> memref<10112x128xbf16, #tpu.memory_space<vmem_shared>>
          tpu.wait_indirect_dma semaphore(%run_scoped3A_73 : memref<!tpu.dma_semaphore, #tpu.memory_space<semaphore_mem>>) src(%dma_wait3A_87 : memref<128x128xbf16, #tpu.memory_space<vmem>>) dst(%dma_wait3A_93 : memref<10112x128xbf16, #tpu.memory_space<vmem_shared>>)
          tpu.yield
        }) : () -> ()
        "tpu.region"() ({
          %run_scoped3A_73 = tpu.sem_alloc : memref<!tpu.dma_semaphore, #tpu.memory_space<semaphore_mem>>
          %dma_start3A_74 = arith.constant 0 : i32
          %dma_start3A_75 = tpu.memref_slice %arg9[%add3A_71, %dma_start3A_74] : memref<80x128xi32, #tpu.memory_space<vmem>> -> memref<1x128xi32, #tpu.memory_space<vmem>>
          %dma_start3A_76 = tpu.memref_squeeze %dma_start3A_75 : memref<1x128xi32, #tpu.memory_space<vmem>> -> memref<128xi32, #tpu.memory_space<vmem>>
          %dma_start3A_77 = arith.constant 0 : i32
          %dma_start3A_78 = arith.constant 0 : i32
          %dma_start3A_79 = tpu.memref_slice %arg16[%dma_start3A_77, %dma_start3A_78] : memref<10112x16xbf16, #tpu.memory_space<vmem_shared>> -> memref<10112x16xbf16, #tpu.memory_space<vmem_shared>>
          tpu.enqueue_indirect_dma source(%arg15 : memref<128x16xbf16, #tpu.memory_space<vmem>>) target(%dma_start3A_79 : memref<10112x16xbf16, #tpu.memory_space<vmem_shared>>) offsets(%dma_start3A_76 : memref<128xi32, #tpu.memory_space<vmem>>) semaphore(%run_scoped3A_73 : memref<!tpu.dma_semaphore, #tpu.memory_space<semaphore_mem>>) {add = true}
          %dma_wait3A_80 = arith.constant 0 : i32
          %dma_wait3A_81 = tpu.memref_slice %arg9[%add3A_71, %dma_wait3A_80] : memref<80x128xi32, #tpu.memory_space<vmem>> -> memref<1x128xi32, #tpu.memory_space<vmem>>
          %dma_wait3A_82 = tpu.memref_squeeze %dma_wait3A_81 : memref<1x128xi32, #tpu.memory_space<vmem>> -> memref<128xi32, #tpu.memory_space<vmem>>
          %dma_wait3A_83 = arith.constant 0 : i32
          %dma_wait3A_84 = arith.constant 0 : i32
          %dma_wait3A_85 = tpu.memref_slice %arg16[%dma_wait3A_83, %dma_wait3A_84] : memref<10112x16xbf16, #tpu.memory_space<vmem_shared>> -> memref<10112x16xbf16, #tpu.memory_space<vmem_shared>>
          tpu.wait_indirect_dma semaphore(%run_scoped3A_73 : memref<!tpu.dma_semaphore, #tpu.memory_space<semaphore_mem>>) src(%arg15 : memref<128x16xbf16, #tpu.memory_space<vmem>>) dst(%dma_wait3A_85 : memref<10112x16xbf16, #tpu.memory_space<vmem_shared>>)
          tpu.yield
        }) : () -> ()
      } else {
      }
    }
    %scan3A_23 = arith.constant 40 : i32
    %barrier3A_24 = arith.constant 0 : index
    tpu.barrier barrier_id(%barrier3A_24)
    "tpu.region"() ({
      %run_scoped3A_25 = tpu.sem_alloc : memref<!tpu.dma_semaphore, #tpu.memory_space<semaphore_mem>>
      %dma_start3A_26 = arith.constant 0 : i32
      %dma_start3A_27 = tpu.memref_slice %arg6[%arg0, %mul3A_2, %dma_start3A_26] : memref<2x10112x128xbf16, #tpu.memory_space<hbm>> -> memref<1x632x128xbf16, #tpu.memory_space<hbm>>
      %dma_start3A_28 = tpu.memref_squeeze %dma_start3A_27 : memref<1x632x128xbf16, #tpu.memory_space<hbm>> -> memref<632x128xbf16, #tpu.memory_space<hbm>>
      %dma_start3A_29 = arith.constant 0 : i32
      %dma_start3A_30 = tpu.memref_slice %arg11[%mul3A_2, %dma_start3A_29] : memref<10112x128xbf16, #tpu.memory_space<vmem_shared>> -> memref<632x128xbf16, #tpu.memory_space<vmem_shared>>
      tpu.enqueue_dma source(%dma_start3A_30 : memref<632x128xbf16, #tpu.memory_space<vmem_shared>>) target(%dma_start3A_28 : memref<632x128xbf16, #tpu.memory_space<hbm>>) target_semaphore(%run_scoped3A_25 : memref<!tpu.dma_semaphore, #tpu.memory_space<semaphore_mem>>)
      %dma_wait3A = arith.constant 0 : i32
      %dma_wait3A_31 = tpu.memref_slice %arg6[%arg0, %mul3A_2, %dma_wait3A] : memref<2x10112x128xbf16, #tpu.memory_space<hbm>> -> memref<1x632x128xbf16, #tpu.memory_space<hbm>>
      %dma_wait3A_32 = tpu.memref_squeeze %dma_wait3A_31 : memref<1x632x128xbf16, #tpu.memory_space<hbm>> -> memref<632x128xbf16, #tpu.memory_space<hbm>>
      %dma_wait3A_33 = arith.constant 0 : i32
      %dma_wait3A_34 = tpu.memref_slice %arg11[%mul3A_2, %dma_wait3A_33] : memref<10112x128xbf16, #tpu.memory_space<vmem_shared>> -> memref<632x128xbf16, #tpu.memory_space<vmem_shared>>
      tpu.wait_dma2 semaphore(%run_scoped3A_25 : memref<!tpu.dma_semaphore, #tpu.memory_space<semaphore_mem>>) src(%dma_wait3A_34 : memref<632x128xbf16, #tpu.memory_space<vmem_shared>>) dst(%dma_wait3A_32 : memref<632x128xbf16, #tpu.memory_space<hbm>>)
      tpu.yield
    }) : () -> ()
    "tpu.region"() ({
      %run_scoped3A_25 = tpu.sem_alloc : memref<!tpu.dma_semaphore, #tpu.memory_space<semaphore_mem>>
      %dma_start3A_26 = arith.constant 0 : i32
      %dma_start3A_27 = tpu.memref_slice %arg7[%arg0, %mul3A_2, %dma_start3A_26] : memref<2x10112x16xbf16, #tpu.memory_space<hbm>> -> memref<1x632x16xbf16, #tpu.memory_space<hbm>>
      %dma_start3A_28 = tpu.memref_squeeze %dma_start3A_27 : memref<1x632x16xbf16, #tpu.memory_space<hbm>> -> memref<632x16xbf16, #tpu.memory_space<hbm>>
      %dma_start3A_29 = arith.constant 0 : i32
      %dma_start3A_30 = tpu.memref_slice %arg16[%mul3A_2, %dma_start3A_29] : memref<10112x16xbf16, #tpu.memory_space<vmem_shared>> -> memref<632x16xbf16, #tpu.memory_space<vmem_shared>>
      tpu.enqueue_dma source(%dma_start3A_30 : memref<632x16xbf16, #tpu.memory_space<vmem_shared>>) target(%dma_start3A_28 : memref<632x16xbf16, #tpu.memory_space<hbm>>) target_semaphore(%run_scoped3A_25 : memref<!tpu.dma_semaphore, #tpu.memory_space<semaphore_mem>>)
      %dma_wait3A = arith.constant 0 : i32
      %dma_wait3A_31 = tpu.memref_slice %arg7[%arg0, %mul3A_2, %dma_wait3A] : memref<2x10112x16xbf16, #tpu.memory_space<hbm>> -> memref<1x632x16xbf16, #tpu.memory_space<hbm>>
      %dma_wait3A_32 = tpu.memref_squeeze %dma_wait3A_31 : memref<1x632x16xbf16, #tpu.memory_space<hbm>> -> memref<632x16xbf16, #tpu.memory_space<hbm>>
      %dma_wait3A_33 = arith.constant 0 : i32
      %dma_wait3A_34 = tpu.memref_slice %arg16[%mul3A_2, %dma_wait3A_33] : memref<10112x16xbf16, #tpu.memory_space<vmem_shared>> -> memref<632x16xbf16, #tpu.memory_space<vmem_shared>>
      tpu.wait_dma2 semaphore(%run_scoped3A_25 : memref<!tpu.dma_semaphore, #tpu.memory_space<semaphore_mem>>) src(%dma_wait3A_34 : memref<632x16xbf16, #tpu.memory_space<vmem_shared>>) dst(%dma_wait3A_32 : memref<632x16xbf16, #tpu.memory_space<hbm>>)
      tpu.yield
    }) : () -> ()
    return
  }
}

#map = affine_map<(d0, d1) -> (0, 0)>
#map1 = affine_map<(d0, d1) -> (0, 0, 0)>
module attributes {stable_mosaic.version = 14 : i64} {
  func.func @sc_agg(%arg0: i32, %arg1: i32, %arg2: memref<10112x64xbf16, #tpu.memory_space<hbm>>, %arg3: memref<2x2560x128xi32, #tpu.memory_space<hbm>>, %arg4: memref<10112x128xbf16, #tpu.memory_space<hbm>>, %arg5: memref<128x16xbf16, #tpu.memory_space<hbm>>, %arg6: memref<2x10112x64xbf16, #tpu.memory_space<hbm>>, %arg7: memref<80x128xi32, #tpu.memory_space<vmem>>, %arg8: memref<80x128xi32, #tpu.memory_space<vmem>>, %arg9: memref<2x128x64xbf16, #tpu.memory_space<vmem>>, %arg10: memref<10112x64xbf16, #tpu.memory_space<vmem_shared>>, %arg11: memref<10112x64xbf16, #tpu.memory_space<vmem_shared>>, %arg12: memref<!tpu.dma_semaphore, #tpu.memory_space<semaphore_mem>>, %arg13: memref<!tpu.dma_semaphore, #tpu.memory_space<semaphore_mem>>) attributes {dimension_semantics = [#tpu.dimension_semantics<core_parallel>, #tpu.dimension_semantics<subcore_parallel>], iteration_bounds = array<i64: 2, 16>, scalar_prefetch = 0 : i64, scratch_operands = 7 : i64, tpu.core_type = #tpu.core_type<sc_vector_subcore>, window_params = [{transform_indices = #map}, {transform_indices = #map1}, {transform_indices = #map}, {transform_indices = #map}, {transform_indices = #map1}]} {
    %mul3A = arith.constant 16 : i32
    %mul3A_0 = arith.muli %arg0, %mul3A : i32
    %add3A = arith.addi %mul3A_0, %arg1 : i32
    %mul3A_1 = arith.constant 632 : i32
    %mul3A_2 = arith.muli %arg1, %mul3A_1 : i32
    "tpu.region"() ({
      %run_scoped3A_25 = tpu.sem_alloc : memref<!tpu.dma_semaphore, #tpu.memory_space<semaphore_mem>>
      %dma_start3A_26 = arith.constant 0 : i32
      %dma_start3A_27 = tpu.memref_slice %arg10[%mul3A_2, %dma_start3A_26] : memref<10112x64xbf16, #tpu.memory_space<vmem_shared>> -> memref<632x64xbf16, #tpu.memory_space<vmem_shared>>
      %dma_start3A_28 = arith.constant 0 : i32
      %dma_start3A_29 = tpu.memref_slice %arg4[%mul3A_2, %dma_start3A_28] : memref<10112x128xbf16, #tpu.memory_space<hbm>> -> memref<632x64xbf16, #tpu.memory_space<hbm>>
      tpu.enqueue_dma source(%dma_start3A_29 : memref<632x64xbf16, #tpu.memory_space<hbm>>) target(%dma_start3A_27 : memref<632x64xbf16, #tpu.memory_space<vmem_shared>>) target_semaphore(%run_scoped3A_25 : memref<!tpu.dma_semaphore, #tpu.memory_space<semaphore_mem>>)
      %dma_wait3A = arith.constant 0 : i32
      %dma_wait3A_30 = tpu.memref_slice %arg10[%mul3A_2, %dma_wait3A] : memref<10112x64xbf16, #tpu.memory_space<vmem_shared>> -> memref<632x64xbf16, #tpu.memory_space<vmem_shared>>
      %dma_wait3A_31 = arith.constant 0 : i32
      %dma_wait3A_32 = tpu.memref_slice %arg4[%mul3A_2, %dma_wait3A_31] : memref<10112x128xbf16, #tpu.memory_space<hbm>> -> memref<632x64xbf16, #tpu.memory_space<hbm>>
      tpu.wait_dma2 semaphore(%run_scoped3A_25 : memref<!tpu.dma_semaphore, #tpu.memory_space<semaphore_mem>>) src(%dma_wait3A_32 : memref<632x64xbf16, #tpu.memory_space<hbm>>) dst(%dma_wait3A_30 : memref<632x64xbf16, #tpu.memory_space<vmem_shared>>)
      tpu.yield
    }) : () -> ()
    "tpu.region"() ({
      %run_scoped3A_25 = tpu.sem_alloc : memref<!tpu.dma_semaphore, #tpu.memory_space<semaphore_mem>>
      %dma_start3A_26 = arith.constant 0 : i32
      %dma_start3A_27 = tpu.memref_slice %arg11[%mul3A_2, %dma_start3A_26] : memref<10112x64xbf16, #tpu.memory_space<vmem_shared>> -> memref<632x64xbf16, #tpu.memory_space<vmem_shared>>
      %dma_start3A_28 = arith.constant 0 : i32
      %dma_start3A_29 = tpu.memref_slice %arg2[%mul3A_2, %dma_start3A_28] : memref<10112x64xbf16, #tpu.memory_space<hbm>> -> memref<632x64xbf16, #tpu.memory_space<hbm>>
      tpu.enqueue_dma source(%dma_start3A_29 : memref<632x64xbf16, #tpu.memory_space<hbm>>) target(%dma_start3A_27 : memref<632x64xbf16, #tpu.memory_space<vmem_shared>>) target_semaphore(%run_scoped3A_25 : memref<!tpu.dma_semaphore, #tpu.memory_space<semaphore_mem>>)
      %dma_wait3A = arith.constant 0 : i32
      %dma_wait3A_30 = tpu.memref_slice %arg11[%mul3A_2, %dma_wait3A] : memref<10112x64xbf16, #tpu.memory_space<vmem_shared>> -> memref<632x64xbf16, #tpu.memory_space<vmem_shared>>
      %dma_wait3A_31 = arith.constant 0 : i32
      %dma_wait3A_32 = tpu.memref_slice %arg2[%mul3A_2, %dma_wait3A_31] : memref<10112x64xbf16, #tpu.memory_space<hbm>> -> memref<632x64xbf16, #tpu.memory_space<hbm>>
      tpu.wait_dma2 semaphore(%run_scoped3A_25 : memref<!tpu.dma_semaphore, #tpu.memory_space<semaphore_mem>>) src(%dma_wait3A_32 : memref<632x64xbf16, #tpu.memory_space<hbm>>) dst(%dma_wait3A_30 : memref<632x64xbf16, #tpu.memory_space<vmem_shared>>)
      tpu.yield
    }) : () -> ()
    %mul3A_3 = arith.constant 80 : i32
    %mul3A_4 = arith.muli %add3A, %mul3A_3 : i32
    %run_scoped3A = arith.constant 0 : i32
    "tpu.region"() ({
      %run_scoped3A_25 = tpu.sem_alloc : memref<!tpu.dma_semaphore, #tpu.memory_space<semaphore_mem>>
      %dma_start3A_26 = arith.constant 0 : i32
      %dma_start3A_27 = tpu.memref_slice %arg3[%run_scoped3A, %mul3A_4, %dma_start3A_26] : memref<2x2560x128xi32, #tpu.memory_space<hbm>> -> memref<1x80x128xi32, #tpu.memory_space<hbm>>
      %dma_start3A_28 = tpu.memref_squeeze %dma_start3A_27 : memref<1x80x128xi32, #tpu.memory_space<hbm>> -> memref<80x128xi32, #tpu.memory_space<hbm>>
      %dma_start3A_29 = arith.constant 0 : i32
      %dma_start3A_30 = tpu.memref_slice %arg3[%run_scoped3A, %mul3A_4, %dma_start3A_29] : memref<2x2560x128xi32, #tpu.memory_space<hbm>> -> memref<1x80x128xi32, #tpu.memory_space<hbm>>
      %dma_start3A_31 = tpu.memref_squeeze %dma_start3A_30 : memref<1x80x128xi32, #tpu.memory_space<hbm>> -> memref<80x128xi32, #tpu.memory_space<hbm>>
      tpu.enqueue_dma source(%dma_start3A_31 : memref<80x128xi32, #tpu.memory_space<hbm>>) target(%arg7 : memref<80x128xi32, #tpu.memory_space<vmem>>) target_semaphore(%run_scoped3A_25 : memref<!tpu.dma_semaphore, #tpu.memory_space<semaphore_mem>>)
      %dma_wait3A = arith.constant 0 : i32
      %dma_wait3A_32 = tpu.memref_slice %arg3[%run_scoped3A, %mul3A_4, %dma_wait3A] : memref<2x2560x128xi32, #tpu.memory_space<hbm>> -> memref<1x80x128xi32, #tpu.memory_space<hbm>>
      %dma_wait3A_33 = tpu.memref_squeeze %dma_wait3A_32 : memref<1x80x128xi32, #tpu.memory_space<hbm>> -> memref<80x128xi32, #tpu.memory_space<hbm>>
      %dma_wait3A_34 = arith.constant 0 : i32
      %dma_wait3A_35 = tpu.memref_slice %arg3[%run_scoped3A, %mul3A_4, %dma_wait3A_34] : memref<2x2560x128xi32, #tpu.memory_space<hbm>> -> memref<1x80x128xi32, #tpu.memory_space<hbm>>
      %dma_wait3A_36 = tpu.memref_squeeze %dma_wait3A_35 : memref<1x80x128xi32, #tpu.memory_space<hbm>> -> memref<80x128xi32, #tpu.memory_space<hbm>>
      tpu.wait_dma2 semaphore(%run_scoped3A_25 : memref<!tpu.dma_semaphore, #tpu.memory_space<semaphore_mem>>) src(%dma_wait3A_36 : memref<80x128xi32, #tpu.memory_space<hbm>>) dst(%arg7 : memref<80x128xi32, #tpu.memory_space<vmem>>)
      tpu.yield
    }) : () -> ()
    %mul3A_5 = arith.constant 80 : i32
    %mul3A_6 = arith.muli %add3A, %mul3A_5 : i32
    %run_scoped3A_7 = arith.constant 1 : i32
    "tpu.region"() ({
      %run_scoped3A_25 = tpu.sem_alloc : memref<!tpu.dma_semaphore, #tpu.memory_space<semaphore_mem>>
      %dma_start3A_26 = arith.constant 0 : i32
      %dma_start3A_27 = tpu.memref_slice %arg3[%run_scoped3A_7, %mul3A_6, %dma_start3A_26] : memref<2x2560x128xi32, #tpu.memory_space<hbm>> -> memref<1x80x128xi32, #tpu.memory_space<hbm>>
      %dma_start3A_28 = tpu.memref_squeeze %dma_start3A_27 : memref<1x80x128xi32, #tpu.memory_space<hbm>> -> memref<80x128xi32, #tpu.memory_space<hbm>>
      %dma_start3A_29 = arith.constant 0 : i32
      %dma_start3A_30 = tpu.memref_slice %arg3[%run_scoped3A_7, %mul3A_6, %dma_start3A_29] : memref<2x2560x128xi32, #tpu.memory_space<hbm>> -> memref<1x80x128xi32, #tpu.memory_space<hbm>>
      %dma_start3A_31 = tpu.memref_squeeze %dma_start3A_30 : memref<1x80x128xi32, #tpu.memory_space<hbm>> -> memref<80x128xi32, #tpu.memory_space<hbm>>
      tpu.enqueue_dma source(%dma_start3A_31 : memref<80x128xi32, #tpu.memory_space<hbm>>) target(%arg8 : memref<80x128xi32, #tpu.memory_space<vmem>>) target_semaphore(%run_scoped3A_25 : memref<!tpu.dma_semaphore, #tpu.memory_space<semaphore_mem>>)
      %dma_wait3A = arith.constant 0 : i32
      %dma_wait3A_32 = tpu.memref_slice %arg3[%run_scoped3A_7, %mul3A_6, %dma_wait3A] : memref<2x2560x128xi32, #tpu.memory_space<hbm>> -> memref<1x80x128xi32, #tpu.memory_space<hbm>>
      %dma_wait3A_33 = tpu.memref_squeeze %dma_wait3A_32 : memref<1x80x128xi32, #tpu.memory_space<hbm>> -> memref<80x128xi32, #tpu.memory_space<hbm>>
      %dma_wait3A_34 = arith.constant 0 : i32
      %dma_wait3A_35 = tpu.memref_slice %arg3[%run_scoped3A_7, %mul3A_6, %dma_wait3A_34] : memref<2x2560x128xi32, #tpu.memory_space<hbm>> -> memref<1x80x128xi32, #tpu.memory_space<hbm>>
      %dma_wait3A_36 = tpu.memref_squeeze %dma_wait3A_35 : memref<1x80x128xi32, #tpu.memory_space<hbm>> -> memref<80x128xi32, #tpu.memory_space<hbm>>
      tpu.wait_dma2 semaphore(%run_scoped3A_25 : memref<!tpu.dma_semaphore, #tpu.memory_space<semaphore_mem>>) src(%dma_wait3A_36 : memref<80x128xi32, #tpu.memory_space<hbm>>) dst(%arg8 : memref<80x128xi32, #tpu.memory_space<vmem>>)
      tpu.yield
    }) : () -> ()
    %barrier3A = arith.constant 0 : index
    tpu.barrier barrier_id(%barrier3A)
    %dma_start3A = arith.constant 0 : i32
    %dma_start3A_8 = arith.constant 0 : i32
    %dma_start3A_9 = arith.constant 0 : i32
    %dma_start3A_10 = arith.constant 0 : i32
    %dma_start3A_11 = tpu.memref_slice %arg9[%dma_start3A_8, %dma_start3A_9, %dma_start3A_10] : memref<2x128x64xbf16, #tpu.memory_space<vmem>> -> memref<1x128x64xbf16, #tpu.memory_space<vmem>>
    %dma_start3A_12 = tpu.memref_squeeze %dma_start3A_11 : memref<1x128x64xbf16, #tpu.memory_space<vmem>> -> memref<128x64xbf16, #tpu.memory_space<vmem>>
    %dma_start3A_13 = arith.constant 0 : i32
    %dma_start3A_14 = tpu.memref_slice %arg7[%dma_start3A, %dma_start3A_13] : memref<80x128xi32, #tpu.memory_space<vmem>> -> memref<1x128xi32, #tpu.memory_space<vmem>>
    %dma_start3A_15 = tpu.memref_squeeze %dma_start3A_14 : memref<1x128xi32, #tpu.memory_space<vmem>> -> memref<128xi32, #tpu.memory_space<vmem>>
    %dma_start3A_16 = arith.constant 0 : i32
    %dma_start3A_17 = arith.constant 0 : i32
    %dma_start3A_18 = tpu.memref_slice %arg11[%dma_start3A_16, %dma_start3A_17] : memref<10112x64xbf16, #tpu.memory_space<vmem_shared>> -> memref<10112x64xbf16, #tpu.memory_space<vmem_shared>>
    tpu.enqueue_indirect_dma source(%dma_start3A_18 : memref<10112x64xbf16, #tpu.memory_space<vmem_shared>>) target(%dma_start3A_12 : memref<128x64xbf16, #tpu.memory_space<vmem>>) offsets(%dma_start3A_15 : memref<128xi32, #tpu.memory_space<vmem>>) semaphore(%arg12 : memref<!tpu.dma_semaphore, #tpu.memory_space<semaphore_mem>>)
    %scan3A = arith.constant 0 : i32
    %scan3A_19 = arith.constant 0 : i32
    %scan3A_20 = arith.constant 40 : i32
    %scan3A_21 = arith.addi %scan3A_19, %scan3A_20 : i32
    %scan3A_22 = arith.constant 1 : i32
    scf.for %scan3A_25 = %scan3A_19 to %scan3A_21 step %scan3A_22  : i32 {
      %mul3A_26 = arith.constant 2 : i32
      %mul3A_27 = arith.muli %mul3A_26, %scan3A_25 : i32
      %add3A_28 = arith.constant 1 : i32
      %add3A_29 = arith.addi %mul3A_27, %add3A_28 : i32
      %lt3A = arith.constant 80 : i32
      %lt3A_30 = arith.cmpi slt, %add3A_29, %lt3A : i32
      %convert_element_type3A = arith.extui %lt3A_30 : i1 to i32
      %cond3A = arith.constant 0 : i32
      %cond3A_31 = arith.cmpi ne, %convert_element_type3A, %cond3A : i32
      scf.if %cond3A_31 {
        %add3A_57 = arith.constant 1 : i32
        %add3A_58 = arith.addi %mul3A_27, %add3A_57 : i32
        %dma_start3A_59 = arith.constant 1 : i32
        %dma_start3A_60 = arith.constant 0 : i32
        %dma_start3A_61 = arith.constant 0 : i32
        %dma_start3A_62 = tpu.memref_slice %arg9[%dma_start3A_59, %dma_start3A_60, %dma_start3A_61] : memref<2x128x64xbf16, #tpu.memory_space<vmem>> -> memref<1x128x64xbf16, #tpu.memory_space<vmem>>
        %dma_start3A_63 = tpu.memref_squeeze %dma_start3A_62 : memref<1x128x64xbf16, #tpu.memory_space<vmem>> -> memref<128x64xbf16, #tpu.memory_space<vmem>>
        %dma_start3A_64 = arith.constant 0 : i32
        %dma_start3A_65 = tpu.memref_slice %arg7[%add3A_58, %dma_start3A_64] : memref<80x128xi32, #tpu.memory_space<vmem>> -> memref<1x128xi32, #tpu.memory_space<vmem>>
        %dma_start3A_66 = tpu.memref_squeeze %dma_start3A_65 : memref<1x128xi32, #tpu.memory_space<vmem>> -> memref<128xi32, #tpu.memory_space<vmem>>
        %dma_start3A_67 = arith.constant 0 : i32
        %dma_start3A_68 = arith.constant 0 : i32
        %dma_start3A_69 = tpu.memref_slice %arg11[%dma_start3A_67, %dma_start3A_68] : memref<10112x64xbf16, #tpu.memory_space<vmem_shared>> -> memref<10112x64xbf16, #tpu.memory_space<vmem_shared>>
        tpu.enqueue_indirect_dma source(%dma_start3A_69 : memref<10112x64xbf16, #tpu.memory_space<vmem_shared>>) target(%dma_start3A_63 : memref<128x64xbf16, #tpu.memory_space<vmem>>) offsets(%dma_start3A_66 : memref<128xi32, #tpu.memory_space<vmem>>) semaphore(%arg13 : memref<!tpu.dma_semaphore, #tpu.memory_space<semaphore_mem>>)
      } else {
      }
      %dma_wait3A = arith.constant 0 : i32
      %dma_wait3A_32 = arith.constant 0 : i32
      %dma_wait3A_33 = arith.constant 0 : i32
      %dma_wait3A_34 = tpu.memref_slice %arg9[%dma_wait3A, %dma_wait3A_32, %dma_wait3A_33] : memref<2x128x64xbf16, #tpu.memory_space<vmem>> -> memref<1x128x64xbf16, #tpu.memory_space<vmem>>
      %dma_wait3A_35 = tpu.memref_squeeze %dma_wait3A_34 : memref<1x128x64xbf16, #tpu.memory_space<vmem>> -> memref<128x64xbf16, #tpu.memory_space<vmem>>
      %dma_wait3A_36 = arith.constant 0 : i32
      %dma_wait3A_37 = tpu.memref_slice %arg7[%mul3A_27, %dma_wait3A_36] : memref<80x128xi32, #tpu.memory_space<vmem>> -> memref<1x128xi32, #tpu.memory_space<vmem>>
      %dma_wait3A_38 = tpu.memref_squeeze %dma_wait3A_37 : memref<1x128xi32, #tpu.memory_space<vmem>> -> memref<128xi32, #tpu.memory_space<vmem>>
      %dma_wait3A_39 = arith.constant 0 : i32
      %dma_wait3A_40 = arith.constant 0 : i32
      %dma_wait3A_41 = tpu.memref_slice %arg11[%dma_wait3A_39, %dma_wait3A_40] : memref<10112x64xbf16, #tpu.memory_space<vmem_shared>> -> memref<10112x64xbf16, #tpu.memory_space<vmem_shared>>
      tpu.wait_indirect_dma semaphore(%arg12 : memref<!tpu.dma_semaphore, #tpu.memory_space<semaphore_mem>>) src(%dma_wait3A_41 : memref<10112x64xbf16, #tpu.memory_space<vmem_shared>>) dst(%dma_wait3A_35 : memref<128x64xbf16, #tpu.memory_space<vmem>>)
      %run_scoped3A_42 = arith.constant 0 : i32
      "tpu.region"() ({
        %run_scoped3A_57 = tpu.sem_alloc : memref<!tpu.dma_semaphore, #tpu.memory_space<semaphore_mem>>
        %dma_start3A_58 = arith.constant 0 : i32
        %dma_start3A_59 = arith.constant 0 : i32
        %dma_start3A_60 = tpu.memref_slice %arg9[%run_scoped3A_42, %dma_start3A_58, %dma_start3A_59] : memref<2x128x64xbf16, #tpu.memory_space<vmem>> -> memref<1x128x64xbf16, #tpu.memory_space<vmem>>
        %dma_start3A_61 = tpu.memref_squeeze %dma_start3A_60 : memref<1x128x64xbf16, #tpu.memory_space<vmem>> -> memref<128x64xbf16, #tpu.memory_space<vmem>>
        %dma_start3A_62 = arith.constant 0 : i32
        %dma_start3A_63 = tpu.memref_slice %arg8[%mul3A_27, %dma_start3A_62] : memref<80x128xi32, #tpu.memory_space<vmem>> -> memref<1x128xi32, #tpu.memory_space<vmem>>
        %dma_start3A_64 = tpu.memref_squeeze %dma_start3A_63 : memref<1x128xi32, #tpu.memory_space<vmem>> -> memref<128xi32, #tpu.memory_space<vmem>>
        %dma_start3A_65 = arith.constant 0 : i32
        %dma_start3A_66 = arith.constant 0 : i32
        %dma_start3A_67 = tpu.memref_slice %arg10[%dma_start3A_65, %dma_start3A_66] : memref<10112x64xbf16, #tpu.memory_space<vmem_shared>> -> memref<10112x64xbf16, #tpu.memory_space<vmem_shared>>
        tpu.enqueue_indirect_dma source(%dma_start3A_61 : memref<128x64xbf16, #tpu.memory_space<vmem>>) target(%dma_start3A_67 : memref<10112x64xbf16, #tpu.memory_space<vmem_shared>>) offsets(%dma_start3A_64 : memref<128xi32, #tpu.memory_space<vmem>>) semaphore(%run_scoped3A_57 : memref<!tpu.dma_semaphore, #tpu.memory_space<semaphore_mem>>) {add = true}
        %dma_wait3A_68 = arith.constant 0 : i32
        %dma_wait3A_69 = arith.constant 0 : i32
        %dma_wait3A_70 = tpu.memref_slice %arg9[%run_scoped3A_42, %dma_wait3A_68, %dma_wait3A_69] : memref<2x128x64xbf16, #tpu.memory_space<vmem>> -> memref<1x128x64xbf16, #tpu.memory_space<vmem>>
        %dma_wait3A_71 = tpu.memref_squeeze %dma_wait3A_70 : memref<1x128x64xbf16, #tpu.memory_space<vmem>> -> memref<128x64xbf16, #tpu.memory_space<vmem>>
        %dma_wait3A_72 = arith.constant 0 : i32
        %dma_wait3A_73 = tpu.memref_slice %arg8[%mul3A_27, %dma_wait3A_72] : memref<80x128xi32, #tpu.memory_space<vmem>> -> memref<1x128xi32, #tpu.memory_space<vmem>>
        %dma_wait3A_74 = tpu.memref_squeeze %dma_wait3A_73 : memref<1x128xi32, #tpu.memory_space<vmem>> -> memref<128xi32, #tpu.memory_space<vmem>>
        %dma_wait3A_75 = arith.constant 0 : i32
        %dma_wait3A_76 = arith.constant 0 : i32
        %dma_wait3A_77 = tpu.memref_slice %arg10[%dma_wait3A_75, %dma_wait3A_76] : memref<10112x64xbf16, #tpu.memory_space<vmem_shared>> -> memref<10112x64xbf16, #tpu.memory_space<vmem_shared>>
        tpu.wait_indirect_dma semaphore(%run_scoped3A_57 : memref<!tpu.dma_semaphore, #tpu.memory_space<semaphore_mem>>) src(%dma_wait3A_71 : memref<128x64xbf16, #tpu.memory_space<vmem>>) dst(%dma_wait3A_77 : memref<10112x64xbf16, #tpu.memory_space<vmem_shared>>)
        tpu.yield
      }) : () -> ()
      %add3A_43 = arith.constant 2 : i32
      %add3A_44 = arith.addi %mul3A_27, %add3A_43 : i32
      %lt3A_45 = arith.constant 80 : i32
      %lt3A_46 = arith.cmpi slt, %add3A_44, %lt3A_45 : i32
      %convert_element_type3A_47 = arith.extui %lt3A_46 : i1 to i32
      %cond3A_48 = arith.constant 0 : i32
      %cond3A_49 = arith.cmpi ne, %convert_element_type3A_47, %cond3A_48 : i32
      scf.if %cond3A_49 {
        %add3A_57 = arith.constant 2 : i32
        %add3A_58 = arith.addi %mul3A_27, %add3A_57 : i32
        %dma_start3A_59 = arith.constant 0 : i32
        %dma_start3A_60 = arith.constant 0 : i32
        %dma_start3A_61 = arith.constant 0 : i32
        %dma_start3A_62 = tpu.memref_slice %arg9[%dma_start3A_59, %dma_start3A_60, %dma_start3A_61] : memref<2x128x64xbf16, #tpu.memory_space<vmem>> -> memref<1x128x64xbf16, #tpu.memory_space<vmem>>
        %dma_start3A_63 = tpu.memref_squeeze %dma_start3A_62 : memref<1x128x64xbf16, #tpu.memory_space<vmem>> -> memref<128x64xbf16, #tpu.memory_space<vmem>>
        %dma_start3A_64 = arith.constant 0 : i32
        %dma_start3A_65 = tpu.memref_slice %arg7[%add3A_58, %dma_start3A_64] : memref<80x128xi32, #tpu.memory_space<vmem>> -> memref<1x128xi32, #tpu.memory_space<vmem>>
        %dma_start3A_66 = tpu.memref_squeeze %dma_start3A_65 : memref<1x128xi32, #tpu.memory_space<vmem>> -> memref<128xi32, #tpu.memory_space<vmem>>
        %dma_start3A_67 = arith.constant 0 : i32
        %dma_start3A_68 = arith.constant 0 : i32
        %dma_start3A_69 = tpu.memref_slice %arg11[%dma_start3A_67, %dma_start3A_68] : memref<10112x64xbf16, #tpu.memory_space<vmem_shared>> -> memref<10112x64xbf16, #tpu.memory_space<vmem_shared>>
        tpu.enqueue_indirect_dma source(%dma_start3A_69 : memref<10112x64xbf16, #tpu.memory_space<vmem_shared>>) target(%dma_start3A_63 : memref<128x64xbf16, #tpu.memory_space<vmem>>) offsets(%dma_start3A_66 : memref<128xi32, #tpu.memory_space<vmem>>) semaphore(%arg12 : memref<!tpu.dma_semaphore, #tpu.memory_space<semaphore_mem>>)
      } else {
      }
      %add3A_50 = arith.constant 1 : i32
      %add3A_51 = arith.addi %mul3A_27, %add3A_50 : i32
      %lt3A_52 = arith.constant 80 : i32
      %lt3A_53 = arith.cmpi slt, %add3A_51, %lt3A_52 : i32
      %convert_element_type3A_54 = arith.extui %lt3A_53 : i1 to i32
      %cond3A_55 = arith.constant 0 : i32
      %cond3A_56 = arith.cmpi ne, %convert_element_type3A_54, %cond3A_55 : i32
      scf.if %cond3A_56 {
        %add3A_57 = arith.constant 1 : i32
        %add3A_58 = arith.addi %mul3A_27, %add3A_57 : i32
        %dma_wait3A_59 = arith.constant 1 : i32
        %dma_wait3A_60 = arith.constant 0 : i32
        %dma_wait3A_61 = arith.constant 0 : i32
        %dma_wait3A_62 = tpu.memref_slice %arg9[%dma_wait3A_59, %dma_wait3A_60, %dma_wait3A_61] : memref<2x128x64xbf16, #tpu.memory_space<vmem>> -> memref<1x128x64xbf16, #tpu.memory_space<vmem>>
        %dma_wait3A_63 = tpu.memref_squeeze %dma_wait3A_62 : memref<1x128x64xbf16, #tpu.memory_space<vmem>> -> memref<128x64xbf16, #tpu.memory_space<vmem>>
        %dma_wait3A_64 = arith.constant 0 : i32
        %dma_wait3A_65 = tpu.memref_slice %arg7[%add3A_58, %dma_wait3A_64] : memref<80x128xi32, #tpu.memory_space<vmem>> -> memref<1x128xi32, #tpu.memory_space<vmem>>
        %dma_wait3A_66 = tpu.memref_squeeze %dma_wait3A_65 : memref<1x128xi32, #tpu.memory_space<vmem>> -> memref<128xi32, #tpu.memory_space<vmem>>
        %dma_wait3A_67 = arith.constant 0 : i32
        %dma_wait3A_68 = arith.constant 0 : i32
        %dma_wait3A_69 = tpu.memref_slice %arg11[%dma_wait3A_67, %dma_wait3A_68] : memref<10112x64xbf16, #tpu.memory_space<vmem_shared>> -> memref<10112x64xbf16, #tpu.memory_space<vmem_shared>>
        tpu.wait_indirect_dma semaphore(%arg13 : memref<!tpu.dma_semaphore, #tpu.memory_space<semaphore_mem>>) src(%dma_wait3A_69 : memref<10112x64xbf16, #tpu.memory_space<vmem_shared>>) dst(%dma_wait3A_63 : memref<128x64xbf16, #tpu.memory_space<vmem>>)
        %add3A_70 = arith.constant 1 : i32
        %add3A_71 = arith.addi %mul3A_27, %add3A_70 : i32
        %run_scoped3A_72 = arith.constant 1 : i32
        "tpu.region"() ({
          %run_scoped3A_73 = tpu.sem_alloc : memref<!tpu.dma_semaphore, #tpu.memory_space<semaphore_mem>>
          %dma_start3A_74 = arith.constant 0 : i32
          %dma_start3A_75 = arith.constant 0 : i32
          %dma_start3A_76 = tpu.memref_slice %arg9[%run_scoped3A_72, %dma_start3A_74, %dma_start3A_75] : memref<2x128x64xbf16, #tpu.memory_space<vmem>> -> memref<1x128x64xbf16, #tpu.memory_space<vmem>>
          %dma_start3A_77 = tpu.memref_squeeze %dma_start3A_76 : memref<1x128x64xbf16, #tpu.memory_space<vmem>> -> memref<128x64xbf16, #tpu.memory_space<vmem>>
          %dma_start3A_78 = arith.constant 0 : i32
          %dma_start3A_79 = tpu.memref_slice %arg8[%add3A_71, %dma_start3A_78] : memref<80x128xi32, #tpu.memory_space<vmem>> -> memref<1x128xi32, #tpu.memory_space<vmem>>
          %dma_start3A_80 = tpu.memref_squeeze %dma_start3A_79 : memref<1x128xi32, #tpu.memory_space<vmem>> -> memref<128xi32, #tpu.memory_space<vmem>>
          %dma_start3A_81 = arith.constant 0 : i32
          %dma_start3A_82 = arith.constant 0 : i32
          %dma_start3A_83 = tpu.memref_slice %arg10[%dma_start3A_81, %dma_start3A_82] : memref<10112x64xbf16, #tpu.memory_space<vmem_shared>> -> memref<10112x64xbf16, #tpu.memory_space<vmem_shared>>
          tpu.enqueue_indirect_dma source(%dma_start3A_77 : memref<128x64xbf16, #tpu.memory_space<vmem>>) target(%dma_start3A_83 : memref<10112x64xbf16, #tpu.memory_space<vmem_shared>>) offsets(%dma_start3A_80 : memref<128xi32, #tpu.memory_space<vmem>>) semaphore(%run_scoped3A_73 : memref<!tpu.dma_semaphore, #tpu.memory_space<semaphore_mem>>) {add = true}
          %dma_wait3A_84 = arith.constant 0 : i32
          %dma_wait3A_85 = arith.constant 0 : i32
          %dma_wait3A_86 = tpu.memref_slice %arg9[%run_scoped3A_72, %dma_wait3A_84, %dma_wait3A_85] : memref<2x128x64xbf16, #tpu.memory_space<vmem>> -> memref<1x128x64xbf16, #tpu.memory_space<vmem>>
          %dma_wait3A_87 = tpu.memref_squeeze %dma_wait3A_86 : memref<1x128x64xbf16, #tpu.memory_space<vmem>> -> memref<128x64xbf16, #tpu.memory_space<vmem>>
          %dma_wait3A_88 = arith.constant 0 : i32
          %dma_wait3A_89 = tpu.memref_slice %arg8[%add3A_71, %dma_wait3A_88] : memref<80x128xi32, #tpu.memory_space<vmem>> -> memref<1x128xi32, #tpu.memory_space<vmem>>
          %dma_wait3A_90 = tpu.memref_squeeze %dma_wait3A_89 : memref<1x128xi32, #tpu.memory_space<vmem>> -> memref<128xi32, #tpu.memory_space<vmem>>
          %dma_wait3A_91 = arith.constant 0 : i32
          %dma_wait3A_92 = arith.constant 0 : i32
          %dma_wait3A_93 = tpu.memref_slice %arg10[%dma_wait3A_91, %dma_wait3A_92] : memref<10112x64xbf16, #tpu.memory_space<vmem_shared>> -> memref<10112x64xbf16, #tpu.memory_space<vmem_shared>>
          tpu.wait_indirect_dma semaphore(%run_scoped3A_73 : memref<!tpu.dma_semaphore, #tpu.memory_space<semaphore_mem>>) src(%dma_wait3A_87 : memref<128x64xbf16, #tpu.memory_space<vmem>>) dst(%dma_wait3A_93 : memref<10112x64xbf16, #tpu.memory_space<vmem_shared>>)
          tpu.yield
        }) : () -> ()
      } else {
      }
    }
    %scan3A_23 = arith.constant 40 : i32
    %barrier3A_24 = arith.constant 0 : index
    tpu.barrier barrier_id(%barrier3A_24)
    "tpu.region"() ({
      %run_scoped3A_25 = tpu.sem_alloc : memref<!tpu.dma_semaphore, #tpu.memory_space<semaphore_mem>>
      %dma_start3A_26 = arith.constant 0 : i32
      %dma_start3A_27 = tpu.memref_slice %arg6[%arg0, %mul3A_2, %dma_start3A_26] : memref<2x10112x64xbf16, #tpu.memory_space<hbm>> -> memref<1x632x64xbf16, #tpu.memory_space<hbm>>
      %dma_start3A_28 = tpu.memref_squeeze %dma_start3A_27 : memref<1x632x64xbf16, #tpu.memory_space<hbm>> -> memref<632x64xbf16, #tpu.memory_space<hbm>>
      %dma_start3A_29 = arith.constant 0 : i32
      %dma_start3A_30 = tpu.memref_slice %arg10[%mul3A_2, %dma_start3A_29] : memref<10112x64xbf16, #tpu.memory_space<vmem_shared>> -> memref<632x64xbf16, #tpu.memory_space<vmem_shared>>
      tpu.enqueue_dma source(%dma_start3A_30 : memref<632x64xbf16, #tpu.memory_space<vmem_shared>>) target(%dma_start3A_28 : memref<632x64xbf16, #tpu.memory_space<hbm>>) target_semaphore(%run_scoped3A_25 : memref<!tpu.dma_semaphore, #tpu.memory_space<semaphore_mem>>)
      %dma_wait3A = arith.constant 0 : i32
      %dma_wait3A_31 = tpu.memref_slice %arg6[%arg0, %mul3A_2, %dma_wait3A] : memref<2x10112x64xbf16, #tpu.memory_space<hbm>> -> memref<1x632x64xbf16, #tpu.memory_space<hbm>>
      %dma_wait3A_32 = tpu.memref_squeeze %dma_wait3A_31 : memref<1x632x64xbf16, #tpu.memory_space<hbm>> -> memref<632x64xbf16, #tpu.memory_space<hbm>>
      %dma_wait3A_33 = arith.constant 0 : i32
      %dma_wait3A_34 = tpu.memref_slice %arg10[%mul3A_2, %dma_wait3A_33] : memref<10112x64xbf16, #tpu.memory_space<vmem_shared>> -> memref<632x64xbf16, #tpu.memory_space<vmem_shared>>
      tpu.wait_dma2 semaphore(%run_scoped3A_25 : memref<!tpu.dma_semaphore, #tpu.memory_space<semaphore_mem>>) src(%dma_wait3A_34 : memref<632x64xbf16, #tpu.memory_space<vmem_shared>>) dst(%dma_wait3A_32 : memref<632x64xbf16, #tpu.memory_space<hbm>>)
      tpu.yield
    }) : () -> ()
    return
  }
}

module attributes {stable_mosaic.version = 14 : i64} {
  func.func @_tc1_body(%arg0: i32, %arg1: memref<2x1264x128xbf16, #tpu.memory_space<vmem>>, %arg2: memref<1264x128xf32, #tpu.memory_space<vmem>>, %arg3: memref<1264x1xf32, #tpu.memory_space<vmem>>, %arg4: memref<128x128xf32, #tpu.memory_space<vmem>>, %arg5: memref<1x128xf32, #tpu.memory_space<vmem>>, %arg6: memref<128x128xf32, #tpu.memory_space<vmem>>, %arg7: memref<64x128xf32, #tpu.memory_space<vmem>>, %arg8: memref<64x128xf32, #tpu.memory_space<vmem>>, %arg9: memref<1x64xf32, #tpu.memory_space<vmem>>, %arg10: memref<1264x64xbf16, #tpu.memory_space<vmem>>, %arg11: memref<1264x64xf32, #tpu.memory_space<vmem>>) attributes {dimension_semantics = [#tpu.dimension_semantics<arbitrary>], iteration_bounds = array<i64: 8>, scalar_prefetch = 0 : i64, scratch_operands = 0 : i64, tpu.core_type = #tpu.core_type<tc>, window_params = [{transform_indices = @transform_0, window_bounds = array<i64: 2, 1264, 128>}, {transform_indices = @transform_1, window_bounds = array<i64: 1264, 128>}, {transform_indices = @transform_2, window_bounds = array<i64: 1264, 1>}, {pipeline_mode = #tpu.pipeline_mode<synchronous>, transform_indices = @transform_3, window_bounds = array<i64: 128, 128>}, {pipeline_mode = #tpu.pipeline_mode<synchronous>, transform_indices = @transform_4, window_bounds = array<i64: 1, 128>}, {pipeline_mode = #tpu.pipeline_mode<synchronous>, transform_indices = @transform_5, window_bounds = array<i64: 128, 128>}, {pipeline_mode = #tpu.pipeline_mode<synchronous>, transform_indices = @transform_6, window_bounds = array<i64: 64, 128>}, {pipeline_mode = #tpu.pipeline_mode<synchronous>, transform_indices = @transform_7, window_bounds = array<i64: 64, 128>}, {pipeline_mode = #tpu.pipeline_mode<synchronous>, transform_indices = @transform_8, window_bounds = array<i64: 1, 64>}, {transform_indices = @transform_9, window_bounds = array<i64: 1264, 64>}, {transform_indices = @transform_10, window_bounds = array<i64: 1264, 64>}]} {
    %get3A = arith.constant 0 : index
    %get3A_0 = arith.constant 0 : index
    %get3A_1 = arith.constant 0 : index
    %get3A_2 = vector.load %arg1[%get3A, %get3A_0, %get3A_1] : memref<2x1264x128xbf16, #tpu.memory_space<vmem>>, vector<1x1264x128xbf16>
    %get3A_3 = vector.shape_cast %get3A_2 : vector<1x1264x128xbf16> to vector<1264x128xbf16>
    %get3A_4 = arith.constant 1 : index
    %get3A_5 = arith.constant 0 : index
    %get3A_6 = arith.constant 0 : index
    %get3A_7 = vector.load %arg1[%get3A_4, %get3A_5, %get3A_6] : memref<2x1264x128xbf16, #tpu.memory_space<vmem>>, vector<1x1264x128xbf16>
    %get3A_8 = vector.shape_cast %get3A_7 : vector<1x1264x128xbf16> to vector<1264x128xbf16>
    %add3A = arith.addf %get3A_3, %get3A_8 : vector<1264x128xbf16>
    %convert_element_type3A = arith.extf %add3A : vector<1264x128xbf16> to vector<1264x128xf32>
    %get3A_9 = arith.constant 0 : index
    %get3A_10 = arith.constant 0 : index
    %get3A_11 = vector.load %arg3[%get3A_9, %get3A_10] : memref<1264x1xf32, #tpu.memory_space<vmem>>, vector<1264x1xf32>
    %mul3A = vector.broadcast %get3A_11 : vector<1264x1xf32> to vector<1264x128xf32>
    %mul3A_12 = arith.mulf %convert_element_type3A, %mul3A : vector<1264x128xf32>
    %convert_element_type3A_13 = arith.truncf %mul3A_12 : vector<1264x128xf32> to vector<1264x128xbf16>
    %get3A_14 = arith.constant 0 : index
    %get3A_15 = arith.constant 0 : index
    %get3A_16 = vector.load %arg4[%get3A_14, %get3A_15] : memref<128x128xf32, #tpu.memory_space<vmem>>, vector<128x128xf32>
    %convert_element_type3A_17 = arith.truncf %get3A_16 : vector<128x128xf32> to vector<128x128xbf16>
    %dot_general3A = arith.constant dense<0.000000e+00> : vector<1264x128xf32>
    %dot_general3A_18 = tpu.matmul %convert_element_type3A_13, %convert_element_type3A_17, %dot_general3A {dimension_numbers = #tpu.dot_dimension_numbers<[1], [1], [0], [0], [0, 0, 1, 0], [], []>, transpose_lhs_hint = false} : vector<1264x128xbf16>, vector<128x128xbf16>, vector<1264x128xf32> -> vector<1264x128xf32>
    %get3A_19 = arith.constant 0 : index
    %get3A_20 = arith.constant 0 : index
    %get3A_21 = vector.load %arg5[%get3A_19, %get3A_20] : memref<1x128xf32, #tpu.memory_space<vmem>>, vector<1x128xf32>
    %add3A_22 = vector.broadcast %get3A_21 : vector<1x128xf32> to vector<1264x128xf32>
    %add3A_23 = arith.addf %dot_general3A_18, %add3A_22 : vector<1264x128xf32>
    %get3A_24 = arith.constant 0 : index
    %get3A_25 = arith.constant 0 : index
    %get3A_26 = vector.load %arg2[%get3A_24, %get3A_25] : memref<1264x128xf32, #tpu.memory_space<vmem>>, vector<1264x128xf32>
    %convert_element_type3A_27 = arith.truncf %get3A_26 : vector<1264x128xf32> to vector<1264x128xbf16>
    %get3A_28 = arith.constant 0 : index
    %get3A_29 = arith.constant 0 : index
    %get3A_30 = vector.load %arg6[%get3A_28, %get3A_29] : memref<128x128xf32, #tpu.memory_space<vmem>>, vector<128x128xf32>
    %convert_element_type3A_31 = arith.truncf %get3A_30 : vector<128x128xf32> to vector<128x128xbf16>
    %dot_general3A_32 = arith.constant dense<0.000000e+00> : vector<1264x128xf32>
    %dot_general3A_33 = tpu.matmul %convert_element_type3A_27, %convert_element_type3A_31, %dot_general3A_32 {dimension_numbers = #tpu.dot_dimension_numbers<[1], [1], [0], [0], [0, 0, 1, 0], [], []>, transpose_lhs_hint = false} : vector<1264x128xbf16>, vector<128x128xbf16>, vector<1264x128xf32> -> vector<1264x128xf32>
    %add3A_34 = arith.addf %add3A_23, %dot_general3A_33 : vector<1264x128xf32>
    %max3A = arith.constant 0.000000e+00 : f32
    %max3A_35 = vector.broadcast %max3A : f32 to vector<1264x128xf32>
    %max3A_36 = arith.maximumf %add3A_34, %max3A_35 : vector<1264x128xf32>
    %convert_element_type3A_37 = arith.truncf %max3A_36 : vector<1264x128xf32> to vector<1264x128xbf16>
    %get3A_38 = arith.constant 0 : index
    %get3A_39 = arith.constant 0 : index
    %get3A_40 = vector.load %arg7[%get3A_38, %get3A_39] : memref<64x128xf32, #tpu.memory_space<vmem>>, vector<64x128xf32>
    %convert_element_type3A_41 = arith.truncf %get3A_40 : vector<64x128xf32> to vector<64x128xbf16>
    %dot_general3A_42 = arith.constant dense<0.000000e+00> : vector<1264x64xf32>
    %dot_general3A_43 = tpu.matmul %convert_element_type3A_37, %convert_element_type3A_41, %dot_general3A_42 {dimension_numbers = #tpu.dot_dimension_numbers<[1], [1], [0], [0], [0, 0, 1, 0], [], []>, transpose_lhs_hint = false} : vector<1264x128xbf16>, vector<64x128xbf16>, vector<1264x64xf32> -> vector<1264x64xf32>
    %mul3A_44 = arith.constant 1264 : i32
    %mul3A_45 = arith.muli %arg0, %mul3A_44 : i32
    %iota3A = tpu.iota {dimensions = array<i32: 0>} : vector<1264x1xi32>
    %add3A_46 = vector.broadcast %mul3A_45 : i32 to vector<1264x1xi32>
    %add3A_47 = arith.addi %add3A_46, %iota3A : vector<1264x1xi32>
    %lt3A = arith.constant 10000 : i32
    %lt3A_48 = vector.broadcast %lt3A : i32 to vector<1264x1xi32>
    %lt3A_49 = arith.cmpi slt, %add3A_47, %lt3A_48 : vector<1264x1xi32>
    %jit3A = arith.constant 0.000000e+00 : f32
    %broadcast_in_dim3A = vector.shape_cast %lt3A_49 : vector<1264x1xi1> to vector<1264x1xi1>
    %broadcast_in_dim3A_50 = vector.broadcast %broadcast_in_dim3A : vector<1264x1xi1> to vector<1264x64xi1>
    %broadcast_in_dim3A_51 = vector.broadcast %jit3A : f32 to vector<1264x64xf32>
    %select_n3A = arith.select %broadcast_in_dim3A_50, %dot_general3A_43, %broadcast_in_dim3A_51 : vector<1264x64xi1>, vector<1264x64xf32>
    %convert_element_type3A_52 = arith.truncf %select_n3A : vector<1264x64xf32> to vector<1264x64xbf16>
    %swap3A = arith.constant 0 : index
    %swap3A_53 = arith.constant 0 : index
    %swap3A_54 = vector.load %arg10[%swap3A, %swap3A_53] : memref<1264x64xbf16, #tpu.memory_space<vmem>>, vector<1264x64xbf16>
    tpu.vector_store %arg10[%swap3A, %swap3A_53], %convert_element_type3A_52 {strides = array<i32>} : memref<1264x64xbf16, #tpu.memory_space<vmem>>, vector<1264x64xbf16>,
    %get3A_55 = arith.constant 0 : index
    %get3A_56 = arith.constant 0 : index
    %get3A_57 = vector.load %arg8[%get3A_55, %get3A_56] : memref<64x128xf32, #tpu.memory_space<vmem>>, vector<64x128xf32>
    %convert_element_type3A_58 = arith.truncf %get3A_57 : vector<64x128xf32> to vector<64x128xbf16>
    %dot_general3A_59 = arith.constant dense<0.000000e+00> : vector<1264x64xf32>
    %dot_general3A_60 = tpu.matmul %convert_element_type3A_37, %convert_element_type3A_58, %dot_general3A_59 {dimension_numbers = #tpu.dot_dimension_numbers<[1], [1], [0], [0], [0, 0, 1, 0], [], []>, transpose_lhs_hint = false} : vector<1264x128xbf16>, vector<64x128xbf16>, vector<1264x64xf32> -> vector<1264x64xf32>
    %get3A_61 = arith.constant 0 : index
    %get3A_62 = arith.constant 0 : index
    %get3A_63 = vector.load %arg9[%get3A_61, %get3A_62] : memref<1x64xf32, #tpu.memory_space<vmem>>, vector<1x64xf32>
    %add3A_64 = vector.broadcast %get3A_63 : vector<1x64xf32> to vector<1264x64xf32>
    %add3A_65 = arith.addf %dot_general3A_60, %add3A_64 : vector<1264x64xf32>
    %swap3A_66 = arith.constant 0 : index
    %swap3A_67 = arith.constant 0 : index
    %swap3A_68 = vector.load %arg11[%swap3A_66, %swap3A_67] : memref<1264x64xf32, #tpu.memory_space<vmem>>, vector<1264x64xf32>
    tpu.vector_store %arg11[%swap3A_66, %swap3A_67], %add3A_65 {strides = array<i32>} : memref<1264x64xf32, #tpu.memory_space<vmem>>, vector<1264x64xf32>,
    return
  }
  func.func @transform_0(%arg0: i32) -> (i32, i32, i32) {
    %c0_i32 = arith.constant 0 : i32
    %c0_i32_0 = arith.constant 0 : i32
    %c0_i32_1 = arith.constant 0 : i32
    return %c0_i32, %arg0, %c0_i32_0 : i32, i32, i32
  }
  func.func @transform_1(%arg0: i32) -> (i32, i32) {
    %c0_i32 = arith.constant 0 : i32
    %c0_i32_0 = arith.constant 0 : i32
    return %arg0, %c0_i32 : i32, i32
  }
  func.func @transform_2(%arg0: i32) -> (i32, i32) {
    %c0_i32 = arith.constant 0 : i32
    %c0_i32_0 = arith.constant 0 : i32
    return %arg0, %c0_i32 : i32, i32
  }
  func.func @transform_3(%arg0: i32) -> (i32, i32) {
    %c0_i32 = arith.constant 0 : i32
    %c0_i32_0 = arith.constant 0 : i32
    %c0_i32_1 = arith.constant 0 : i32
    return %c0_i32, %c0_i32_0 : i32, i32
  }
  func.func @transform_4(%arg0: i32) -> (i32, i32) {
    %c0_i32 = arith.constant 0 : i32
    %c0_i32_0 = arith.constant 0 : i32
    %c0_i32_1 = arith.constant 0 : i32
    return %c0_i32, %c0_i32_0 : i32, i32
  }
  func.func @transform_5(%arg0: i32) -> (i32, i32) {
    %c0_i32 = arith.constant 0 : i32
    %c0_i32_0 = arith.constant 0 : i32
    %c0_i32_1 = arith.constant 0 : i32
    return %c0_i32, %c0_i32_0 : i32, i32
  }
  func.func @transform_6(%arg0: i32) -> (i32, i32) {
    %c0_i32 = arith.constant 0 : i32
    %c0_i32_0 = arith.constant 0 : i32
    %c0_i32_1 = arith.constant 0 : i32
    return %c0_i32, %c0_i32_0 : i32, i32
  }
  func.func @transform_7(%arg0: i32) -> (i32, i32) {
    %c0_i32 = arith.constant 0 : i32
    %c0_i32_0 = arith.constant 0 : i32
    %c0_i32_1 = arith.constant 0 : i32
    return %c0_i32, %c0_i32_0 : i32, i32
  }
  func.func @transform_8(%arg0: i32) -> (i32, i32) {
    %c0_i32 = arith.constant 0 : i32
    %c0_i32_0 = arith.constant 0 : i32
    %c0_i32_1 = arith.constant 0 : i32
    return %c0_i32, %c0_i32_0 : i32, i32
  }
  func.func @transform_9(%arg0: i32) -> (i32, i32) {
    %c0_i32 = arith.constant 0 : i32
    %c0_i32_0 = arith.constant 0 : i32
    return %arg0, %c0_i32 : i32, i32
  }
  func.func @transform_10(%arg0: i32) -> (i32, i32) {
    %c0_i32 = arith.constant 0 : i32
    %c0_i32_0 = arith.constant 0 : i32
    return %arg0, %c0_i32 : i32, i32
  }
}

module attributes {stable_mosaic.version = 14 : i64} {
  func.func @_tc2_body(%arg0: i32, %arg1: memref<2x2000x64xbf16, #tpu.memory_space<vmem>>, %arg2: memref<2000x1xf32, #tpu.memory_space<vmem>>, %arg3: memref<2000x64xf32, #tpu.memory_space<vmem>>, %arg4: memref<2000x64xf32, #tpu.memory_space<vmem>>) attributes {dimension_semantics = [#tpu.dimension_semantics<arbitrary>], iteration_bounds = array<i64: 5>, scalar_prefetch = 0 : i64, scratch_operands = 0 : i64, tpu.core_type = #tpu.core_type<tc>, window_params = [{transform_indices = @transform_0, window_bounds = array<i64: 2, 2000, 64>}, {transform_indices = @transform_1, window_bounds = array<i64: 2000, 1>}, {transform_indices = @transform_2, window_bounds = array<i64: 2000, 64>}, {transform_indices = @transform_3, window_bounds = array<i64: 2000, 64>}]} {
    %get3A = arith.constant 0 : index
    %get3A_0 = arith.constant 0 : index
    %get3A_1 = arith.constant 0 : index
    %get3A_2 = vector.load %arg1[%get3A, %get3A_0, %get3A_1] : memref<2x2000x64xbf16, #tpu.memory_space<vmem>>, vector<1x2000x64xbf16>
    %get3A_3 = vector.shape_cast %get3A_2 : vector<1x2000x64xbf16> to vector<2000x64xbf16>
    %get3A_4 = arith.constant 1 : index
    %get3A_5 = arith.constant 0 : index
    %get3A_6 = arith.constant 0 : index
    %get3A_7 = vector.load %arg1[%get3A_4, %get3A_5, %get3A_6] : memref<2x2000x64xbf16, #tpu.memory_space<vmem>>, vector<1x2000x64xbf16>
    %get3A_8 = vector.shape_cast %get3A_7 : vector<1x2000x64xbf16> to vector<2000x64xbf16>
    %add3A = arith.addf %get3A_3, %get3A_8 : vector<2000x64xbf16>
    %convert_element_type3A = arith.extf %add3A : vector<2000x64xbf16> to vector<2000x64xf32>
    %get3A_9 = arith.constant 0 : index
    %get3A_10 = arith.constant 0 : index
    %get3A_11 = vector.load %arg2[%get3A_9, %get3A_10] : memref<2000x1xf32, #tpu.memory_space<vmem>>, vector<2000x1xf32>
    %mul3A = vector.broadcast %get3A_11 : vector<2000x1xf32> to vector<2000x64xf32>
    %mul3A_12 = arith.mulf %convert_element_type3A, %mul3A : vector<2000x64xf32>
    %get3A_13 = arith.constant 0 : index
    %get3A_14 = arith.constant 0 : index
    %get3A_15 = vector.load %arg3[%get3A_13, %get3A_14] : memref<2000x64xf32, #tpu.memory_space<vmem>>, vector<2000x64xf32>
    %add3A_16 = arith.addf %mul3A_12, %get3A_15 : vector<2000x64xf32>
    %swap3A = arith.constant 0 : index
    %swap3A_17 = arith.constant 0 : index
    %swap3A_18 = vector.load %arg4[%swap3A, %swap3A_17] : memref<2000x64xf32, #tpu.memory_space<vmem>>, vector<2000x64xf32>
    tpu.vector_store %arg4[%swap3A, %swap3A_17], %add3A_16 {strides = array<i32>} : memref<2000x64xf32, #tpu.memory_space<vmem>>, vector<2000x64xf32>,
    return
  }
  func.func @transform_0(%arg0: i32) -> (i32, i32, i32) {
    %c0_i32 = arith.constant 0 : i32
    %c0_i32_0 = arith.constant 0 : i32
    %c0_i32_1 = arith.constant 0 : i32
    return %c0_i32, %arg0, %c0_i32_0 : i32, i32, i32
  }
  func.func @transform_1(%arg0: i32) -> (i32, i32) {
    %c0_i32 = arith.constant 0 : i32
    %c0_i32_0 = arith.constant 0 : i32
    return %arg0, %c0_i32 : i32, i32
  }
  func.func @transform_2(%arg0: i32) -> (i32, i32) {
    %c0_i32 = arith.constant 0 : i32
    %c0_i32_0 = arith.constant 0 : i32
    return %arg0, %c0_i32 : i32, i32
  }
  func.func @transform_3(%arg0: i32) -> (i32, i32) {
    %c0_i32 = arith.constant 0 : i32
    %c0_i32_0 = arith.constant 0 : i32
    return %arg0, %c0_i32 : i32, i32
  }
}

</mosaic_0001>

<sc_bundles>
// kernel: kernel.6.cloned.1.call-start
scs
__scs_entry_jumppad:
0x0: {  	(pc) =	sbr.rel $0x88, $3  }
0x1: {  	(tag) =	ssettag $0x0;
	lr =	simm.s32 $0x1  }
0x2: {  	[smem:$0x3F99] =	sst lr;
	_ =	strace $0xD0000000  }
0x3: {  	_ = 	snop  }
0x4: {  	_ = 	snop  }
0x5: {  	_ = 	snop  }
0x6: {  	_ = 	snop  }
0x7: {  	_ = 	snop  }
__scs_overlays_trampoline_lowered:
0x8: {  	[smem:$0x3FA8] =	sst s0  }
0x9: {  	[smem:$0x3FA9] =	sst s1  }
0xa: {  	[smem:$0x3FAA] =	sst s2  }
0xb: {  	[smem:$0x3FAB] =	sst s3  }
0xc: {  	[smem:$0x3FAC] =	sst s4  }
0xd: {  	[smem:$0x3FAD] =	sst s5  }
0xe: {  	[smem:$0x3FAE] =	sst s6  }
0xf: {  	[smem:$0x3FAF] =	sst s7  }
0x10: {  	[smem:$0x3FB0] =	sst s8  }
0x11: {  	[smem:$0x3FB1] =	sst s9;
	s0 =	simm.s32 @!p0 $0x0  }
0x12: {  	s1 =	sld [smem:$0x3F97];
	s0 =	simm.s32 @p0 $0x1  }
0x13: {  	[smem:$0x3FB2] =	sst s0;
	s0 =	simm.s32 @!p1 $0x0  }
0x14: {  	s2 =	sld [smem:$0x3F96];
	s0 =	simm.s32 @p1 $0x1  }
0x15: {  	[smem:$0x3FB3] =	sst s0;
	s0 =	simm.s32 @!p2 $0x0  }
0x16: {  	s3 =	sld [smem:$0x3FDB];
	s0 =	simm.s32 @p2 $0x1  }
0x17: {  	s4 =	simm.s32 $0x1BF5;
	[smem:$0x3FB5] =	sst s0  }
0x18: {  	s0 =	sld [smem:$0x3F98];
	_ =	swait.ge [sflag:s4], $0x0  }
0x19: {  	s7 =	sld [smem:$0x3F99]  }
0x1a: {  	s8 =	sadd.s32 $0xFFFFE003, lr  }
0x1b: {  	s9 =	sadd.s32 $0xFFFFFEF7, lr;
	s5 =	simm.s32 $0xFFFFFFFF;
	p2 =	slt.u32 s8, $0xFFFFF086  }
0x1c: {  	p1 =	slt.u32 s9, $0xF7A;
	s5 =	simm.s32 @!p2 $0x0  }
0x1d: {  	s5 =	simm.s32 @p1 $0x1;
	p0 =	seq.s32 s7, s2  }
0x1e: {  	s7 =	smul.u32 @!p0 $0xF7A, s2;
	p2 =	seq.s32 @!p0 s5, $0x0  }
0x1f: {  	s9 =	smul.u32 $0xF7A, s1;
	s8 =	simm.s32 @!p0 $0x1BF5;
	p2 =	por !p2, p0  }
0x20: {  	[sflag:s8] =	ssyncset.s32 @!p0 $0xFFFFF086;
	s6 =	sadd.s32 @!p0 s3, s7;
	s7 =	simm.s32 @!p0 $0x108  }
0x21: {  	s3 =	sadd.s32 s3, s9;
	s6 =	sadd.s32 @!p0 $0x88, s6;
	s7 =	simm.s32 @p2 $0x1082  }
0x22: {  	[simem:s7], [sflag:s8] =	dma.local @!p0 [hbm:s6], $0xF7A  }
0x23: {  	s9 =	sor.u32 $0xD0000000, s2;
	s6 =	simm.s32 $0x108;
	_ =	swait.ge @!p0 [sflag:s8], $0x0  }
0x24: {  	s3 =	sadd.s32 $0x88, s3;
	s6 =	simm.s32 @!p1 $0x1082;
	[sflag:s4] =	ssyncset.s32 $0xFFFFF086  }
0x25: {  	[simem:s6], [sflag:s4] =	dma.local [hbm:s3], $0xF7A  }
0x26: {  	[smem:$0x3F99] =	sst s1;
	(tag) =	ssettag s2;
	_ =	strace s9  }
0x27: {  	s1 =	sld [smem:$0x3FA9]  }
0x28: {  	s2 =	sld [smem:$0x3FAA]  }
0x29: {  	s4 =	sld [smem:$0x3FAC]  }
0x2a: {  	p0 =	seq.s32 s5, $0x0;
	s5 =	sld [smem:$0x3FAD]  }
0x2b: {  	s6 =	sld [smem:$0x3FAE]  }
0x2c: {  	s7 =	sld [smem:$0x3FAF]  }
0x2d: {  	s3 =	simm.s32 $0x108;
	s8 =	sld [smem:$0x3FB0]  }
0x2e: {  	s3 =	simm.s32 @!p0 $0x1082;
	s9 =	sld [smem:$0x3FB1]  }
0x2f: {  	lr =	sadd.s32 s0, s3;
	s0 =	sld [smem:$0x3FA8]  }
0x30: {  	s3 =	sld [smem:$0x3FAB]  }
0x31: {  	[smem:$0x3FB4] =	sst s10  }
0x32: {  	s10 =	sld [smem:$0x3FB2];
	_ =	sdelay $0x3  }
0x33: {  	p0 =	seq.s32 s10, $0x1;
	s10 =	sld [smem:$0x3FB4];
	_ =	sdelay $0x3  }
0x34: {  	[smem:$0x3FB4] =	sst s10  }
0x35: {  	s10 =	sld [smem:$0x3FB3];
	_ =	sdelay $0x3  }
0x36: {  	p1 =	seq.s32 s10, $0x1;
	s10 =	sld [smem:$0x3FB4];
	_ =	sdelay $0x3  }
0x37: {  	[smem:$0x3FB4] =	sst s10  }
0x38: {  	s10 =	sld [smem:$0x3FB5]  }
0x39: {  	_ = 	snop;
	(pc) =	sbr.ind lr, $3  }
0x3a: {  	_ = 	snop  }
0x3b: {  	_ = 	snop  }
0x3c: {  	p2 =	seq.s32 s10, $0x1;
	s10 =	sld [smem:$0x3FB4]  }
0x3d: {  	_ =	shalt  }
0x3e: {  	_ =	shalt  }
0x3f: {  	_ =	shalt  }
0x40: {  	_ =	shalt  }
0x41: {  	_ =	shalt  }
0x42: {  	_ =	shalt  }
0x43: {  	_ =	shalt  }
0x44: {  	_ =	shalt  }
0x45: {  	_ =	shalt  }
0x46: {  	_ =	shalt  }
0x47: {  	_ =	shalt  }
0x48: {  	_ =	shalt  }
0x49: {  	_ =	shalt  }
0x4a: {  	_ =	shalt  }
0x4b: {  	_ =	shalt  }
0x4c: {  	_ =	shalt  }
0x4d: {  	_ =	shalt  }
0x4e: {  	_ =	shalt  }
0x4f: {  	_ =	shalt  }
0x50: {  	_ =	shalt  }
0x51: {  	_ =	shalt  }
0x52: {  	_ =	shalt  }
0x53: {  	_ =	shalt  }
0x54: {  	_ =	shalt  }
0x55: {  	_ =	shalt  }
0x56: {  	_ =	shalt  }
0x57: {  	_ =	shalt  }
0x58: {  	_ =	shalt  }
0x59: {  	_ =	shalt  }
0x5a: {  	_ =	shalt  }
0x5b: {  	_ =	shalt  }
0x5c: {  	_ =	shalt  }
0x5d: {  	_ =	shalt  }
0x5e: {  	_ =	shalt  }
0x5f: {  	_ =	shalt  }
0x60: {  	_ =	shalt  }
0x61: {  	_ =	shalt  }
0x62: {  	_ =	shalt  }
0x63: {  	_ =	shalt  }
0x64: {  	_ =	shalt  }
0x65: {  	_ =	shalt  }
0x66: {  	_ =	shalt  }
0x67: {  	_ =	shalt  }
0x68: {  	_ =	shalt  }
0x69: {  	_ =	shalt  }
0x6a: {  	_ =	shalt  }
0x6b: {  	_ =	shalt  }
0x6c: {  	_ =	shalt  }
0x6d: {  	_ =	shalt  }
0x6e: {  	_ =	shalt  }
0x6f: {  	_ =	shalt  }
0x70: {  	_ =	shalt  }
0x71: {  	_ =	shalt  }
0x72: {  	_ =	shalt  }
0x73: {  	_ =	shalt  }
0x74: {  	_ =	shalt  }
0x75: {  	_ =	shalt  }
0x76: {  	_ =	shalt  }
0x77: {  	_ =	shalt  }
0x78: {  	_ =	shalt  }
0x79: {  	_ =	shalt  }
0x7a: {  	_ =	shalt  }
0x7b: {  	_ =	shalt  }
0x7c: {  	_ =	shalt  }
0x7d: {  	_ =	shalt  }
0x7e: {  	_ =	shalt  }
0x7f: {  	_ =	shalt  }
0x80: {  	_ =	shalt  }
0x81: {  	_ =	shalt  }
0x82: {  	_ =	shalt  }
0x83: {  	_ =	shalt  }
0x84: {  	_ =	shalt  }
0x85: {  	_ =	shalt  }
0x86: {  	_ =	shalt  }
0x87: {  	_ =	shalt  }
.Lfunc_end0:
.L_simem_size_0:
called_computation_lowered:
.L_overlay_start_0:
0x88: {  	s2 =	sld [smem:$0x3FD9]  }
0x89: {  	s3 =	sld [smem:$0x3FFE];
	_ =	sdelay $0x1  }
0x8a: {  	s1 =	srdreg.scid  }
0x8b: {  	s0 =	sand.u32 $0x1, s1  }
0x8c: {  	s17 =	sshll.u32 s0, $0xA;
	s2 =	sadd.s32 s3, s2  }
0x8d: {  	s2 =	sadd.s32 s2, s17  }
0x8e: {  	[smem:$0x3FC0] =	sst s2  }
0x8f: {  	_ = 	snop  }
0x90: {  	s2 =	sld [smem:$0x3FD0];
	(tm) =	ssettm $0x1  }
0x91: {  	s18 =	sld [smem:$0x3FFB];
	_ =	sdelay $0x3  }
0x92: {  	_ =	strace s18  }
0x93: {  	s3 =	sld [smem:$0x3FFC];
	_ =	sdelay $0x3  }
0x94: {  	_ =	strace s3  }
0x95: {  	s3 =	sld [smem:$0x3FFD];
	_ =	sdelay $0x3  }
0x96: {  	_ =	strace s3  }
0x97: {  	_ =	strace $0x8FFFFFFF  }
0x98: {  	s19 =	sld [smem:$0x3FDB];
	_ =	sdelay $0x1  }
0x99: {  	s4 =	simm.s32 $_scs_section_size  }
0x9a: {  	s5 =	simm.s32 $_size__tile_overlayer_lowered;
	s6 =	simm.s32 $_tile_overlayer_lowered  }
0x9b: {  	s22 =	simm.s32 $0x1BFF;
	s21 =	sshll.u32 s6, $0x1;
	s3 =	sadd.s32 s4, s19  }
0x9c: {  	s7 =	simm.s32 $0x0;
	s20 =	sshll.u32 s5, $0x1;
	s5 =	sadd.s32 s21, s3  }
0x9d: {  	[timem:s7], [sflag:s22] =	dma.local [hbm:s5], s20  }
0x9e: {  	_ =	swait.ge [sflag:s22], s20  }
0x9f: {  	s4 =	ssub.s32 $0x0, s20;
	[sflag:s22] =	ssyncset.done $0x0  }
0xa0: {  	[sflag:s22] =	ssyncadd.s32 s4;
	_ =	sdelay $0x1  }
0xa1: {  	s23 =	simm.s32 $0x1B8B  }
0xa2: {  	_ =	swait.ge [sflag:s23], $0x1  }
0xa3: {  	[sflag:s23] =	ssyncset.done $0x0  }
0xa4: {  	s25 =	simm.s32 $0x1B8E;
	s24 =	sld [smem:$0x3FFE];
	[sflag:s23] =	ssyncadd.s32 $0xFFFFFFFF  }
0xa5: {  	s26 =	simm.s32 $execute0_lowered;
	[smem:$0x3FD2] =	sst s25  }
0xa6: {  	s5 =	sshll.u32 s26, $0x1;
	_ =	strace $0x80000046;
	[dreg:$0x1] =	wrdreg $0xFFFFFFFF  }
0xa7: {  	s28 =	simm.s32 $_size_execute0_lowered;
	s3 =	sadd.s32 s3, s5;
	[dreg:$0x0] =	wrdreg $0x0  }
0xa8: {  	s5 =	sshll.u32 s28, $0x1;
	[dreg:$0x2] =	wrdreg s3  }
0xa9: {  	[dreg:$0x3] =	wrdreg s5  }
0xaa: {  	[dreg:$0x4] =	wrdreg $0xC0  }
0xab: {  	_ =	task [dreg:s7], $0x5FFFF  }
0xac: {  	[dreg:$0x1] =	wrdreg $0xFFFFFFFF  }
0xad: {  	[dreg:$0x0] =	wrdreg $0x60  }
0xae: {  	[dreg:$0x2] =	wrdreg s2  }
0xaf: {  	[dreg:$0x3] =	wrdreg s24  }
0xb0: {  	[dreg:$0x4] =	wrdreg $0x90000  }
0xb1: {  	[dreg:$0x5] =	wrdreg $0x12E000  }
0xb2: {  	[dreg:$0x6] =	wrdreg $0x1D0000  }
0xb3: {  	[dreg:$0x7] =	wrdreg $0x9  }
0xb4: {  	_ =	task.clear_ibuf [dreg:s7], $0x8FFFF;
	_ =	strace $0x90000046  }
0xb5: {  	s29 =	simm.s32 $0x9;
	_ =	strace $0x80000048  }
0xb6: {  	_ =	swait.ge [sflag:s29], $0x1  }
0xb7: {  	[sflag:s29] =	ssyncadd.s32 $0xFFFFFFFF  }
0xb8: {  	_ =	strace $0x90000048  }
0xb9: {  	_ =	sfence  }
0xba: {  	s30 =	sld [smem:$0x0];
	_ =	sdelay $0x2  }
0xbb: {  	s31 =	sshll.u32 s1, $0xD;
	s1 =	sshrl.u32 s1, $0x2  }
0xbc: {  	s3 =	sand.u32 $0x4000, s31;
	s1 =	sadd.s32 s1, s30  }
0xbd: {  	s0 =	sor.u32 s3, s0;
	s1 =	sshll.u32 s1, $0x11  }
0xbe: {  	s0 =	sor.u32 s1, s0  }
0xbf: {  	s0 =	sadd.s32 $0x8F2B, s0  }
0xc0: {  	[sflag:s0] =	ssyncadd.remote.s32 $0x1  }
0xc1: {  	_ =	sfence.sel $0xFFFF  }
0xc2: {  	[dreg:$0x0] =	wrdreg $0xFFFFFFFF;
	(pc) =	sbr.abs _section_cstart, $3  }
0xc3: {  	[dreg:$0x1] =	wrdreg $0xFFFFFFFF  }
0xc4: {  	_ =	task.clear_ibuf [dreg:s7], $0x2FFFF;
	_ =	strace $0x9FFFFFFF  }
0xc5: {  	(tm) =	ssettm $0x7FFFFFFF  }
tec
execute0_lowered:
.L_overlay_start_1:
0x0: {  	(tag) =	ssettag $0x1  }
0x1: {  	s0 =	rddreg [dreg:$0x0];
	s1 =	srdreg.scid  }
0x2: {  	s2 =	rddreg [dreg:$0x1];
	s18 =	stileid.u32  }
0x3: {  	s3 =	rddreg [dreg:$0x3];
	s19 =	simm.s32 $0x1CC00;
	s28 =	simm.s32 $0x2  }
0x4: {  	s30 =	simm.s32 $0x4F00;
	s31 =	simm.s32 $0x4F80;
	s8 =	smul.u32 $0x13C00, s18  }
0x5: {  	s7 =	sand.u32 $0x1, s1;
	s1 =	rddreg [dreg:$0x2];
	s12 =	smul.u32 $0x2780, s18  }
0x6: {  	s21 =	sadd.s32 $0x2E00, s2;
	s25 =	sshll.u32 s18, $0x6;
	s9 =	smul.u32 $0x13C000, s7  }
0x7: {  	s4 =	sshll.u32 s7, $0x4;
	s13 =	smul.u32 $0x27800, s7;
	s7 =	ssub.s32 $0x2, s7  }
0x8: {  	s5 =	sor.u32 s18, s4;
	s4 =	rddreg [dreg:$0x4];
	s10 =	sshrl.u32 s8, $0x4  }
0x9: {  	s23 =	sshrl.u32 s7, $0x1;
	s24 =	sshrl.u32 s8, $0x1;
	s29 =	sshrl.u32 s12, $0x1  }
0xa: {  	s6 =	smul.u32 $0x2800, s5;
	s5 =	simm.s32 $0x0;
	s14 =	sadd.s32 s10, s2  }
0xb: {  	s9 =	sadd.s32 s8, s9;
	s13 =	sadd.s32 s12, s13;
	s16 =	ssub.s32 s7, s23  }
0xc: {  	s17 =	sadd.s32 s24, s1;
	s8 =	sor.u32 $0x1C03, s25;
	s26 =	sadd.s32 s24, s3  }
0xd: {  	s23 =	simm.s32 $0x80;
	s24 =	simm.s32 $0x5000;
	s25 =	simm.s32 $0x7000  }
0xe: {  	[smem:$0x7FF] =	sst s5;
	s9 =	sshrl.u32 s9, $0x4;
	s22 =	sshrl.u32 s13, $0x4  }
0xf: {  	s7 =	sadd.s32 $0x3000, s14;
	s14 =	smax.u32 s16, $0x1;
	s16 =	simm.s32 $0x3  }
0x10: {  	_ =	strace $0x80000047;
	s6 =	sshrl.u32 s6, $0x3;
	[dreg:$0x6] =	wrdreg s21  }
0x11: {  	s15 =	sadd.s32 s9, s2;
	s9 =	sadd.s32 s0, s10;
	s0 =	sadd.s32 s29, s4  }
0x12: {  	s21 =	simm.s32 $0x1;
	s11 =	sadd.s32 s6, s2;
	s2 =	sadd.s32 s22, s2  }
0x13: {  	s12 =	sadd.s32 $0x2AC00, s15;
	s15 =	sshrl.u32 s17, $0x3;
	s17 =	sshrl.u32 s26, $0x3  }
0x14: {  	s20 =	sshrl.u32 s0, $0x3;
	s26 =	simm.s32 $0x4;
	s10 =	sadd.s32 $0x16C00, s11  }
0x15: {  	s11 =	sadd.s32 $0x20C00, s11;
	s13 =	sadd.s32 $0x52400, s2;
	s2 =	simm.s32 $0x0  }
.LBB2_1:
0x16: {  	[spmem:s15], [sflag:s8] =	dma.local [hbm:s7], $0x13C0  }
0x17: {  	_ =	swait.ge [sflag:s16], $0x13C0  }
0x18: {  	[sflag:s16] =	ssyncset.done $0x0  }
0x19: {  	[sflag:s16] =	ssyncadd.s32 $0xFFFFEC40  }
0x1a: {  	[spmem:s17], [sflag:s8] =	dma.local [hbm:s9], $0x13C0  }
0x1b: {  	_ =	swait.ge [sflag:s16], $0x13C0  }
0x1c: {  	[sflag:s16] =	ssyncset.done $0x0  }
0x1d: {  	[sflag:s16] =	ssyncadd.s32 $0xFFFFEC40  }
0x1e: {  	[tilespmem:s5], [sflag:$0x3] =	stream.linear.gather [hbm4b:s10+s5], $0x2800, $0x38;
	[tilespmem:$0x1E3C0] =	vst v63  }
0x1f: {  	_ =	swait.ge [sflag:s16], $0x2800  }
0x20: {  	[sflag:s16] =	ssyncset.done $0x0  }
0x21: {  	s0 =	simm.s32 $0x2800;
	[sflag:s16] =	ssyncadd.s32 $0xFFFFD800  }
0x22: {  	[tilespmem:s0], [sflag:$0x3] =	stream.linear.gather [hbm4b:s11+s5], $0x2800, $0x38;
	[tilespmem:$0x1E3C0] =	vst v63  }
0x23: {  	_ =	swait.ge [sflag:s16], $0x2800  }
0x24: {  	[sflag:s16] =	ssyncset.done $0x0  }
0x25: {  	s22 =	rddreg [dreg:$0x6];
	[sflag:s16] =	ssyncadd.s32 $0xFFFFD800  }
0x26: {  	[tilespmem:s19], [sflag:$0x3] =	stream.linear.gather [hbm4b:s22+s5], $0x400, $0x38;
	[tilespmem:$0x1E3C0] =	vst v63  }
0x27: {  	_ =	swait.ge [sflag:s16], $0x400  }
0x28: {  	[sflag:s16] =	ssyncset.done $0x0  }
0x29: {  	s29 =	simm.s32 $0x8;
	[sflag:s16] =	ssyncadd.s32 $0xFFFFFC00  }
0x2a: {  	[spmem:s20@s21], [sflag:s8] =	dma.strided [hbm:s7@s29], $0x278, s21, $0x1   }
0x2b: {  	_ =	swait.ge [sflag:s16], $0x278  }
0x2c: {  	[sflag:s16] =	ssyncset.done $0x0  }
0x2d: {  	[sflag:s16] =	ssyncadd.s32 $0xFFFFFD88  }
0x2e: {  	[bflag:$0x0] =	sbarrier.arrive $0xFFFF  }
0x2f: {  	[tilespmem:s24], [sflag:$0x1] =	stream.indirect.gather [spmem:s3], $0x40, s5, s23, $0xb8;
	[tilespmem:$0x1E3C0] =	vst v63  }
0x30: {  	s6 =	simm.s32 $0x80  }
0x31: {  	[tilespmem:s25], [sflag:$0x2] =	stream.indirect.gather [spmem:s3], $0x40, s6, s23, $0xb8;
	[tilespmem:$0x1E3C0] =	vst v63  }
0x32: {  	_ =	swait.ge [sflag:s21], $0x2000  }
0x33: {  	[sflag:s21] =	ssyncset.done $0x0  }
0x34: {  	s18 =	simm.s32 $0x2800;
	[sflag:s21] =	ssyncadd.s32 $0xFFFFE000  }
0x35: {  	[spmem:s1] =	stream.indirect.scatter.add.bf16 [tilespmem:s24], [sflag:$0x4], $0x40, s18, s23, $0xb8;
	[tilespmem:$0x1E3C0] =	vst v63  }
0x36: {  	_ =	swait.ge [sflag:s26], $0x2000  }
0x37: {  	[sflag:s26] =	ssyncset.done $0x0  }
0x38: {  	[sflag:s26] =	ssyncadd.s32 $0xFFFFE000  }
0x39: {  	[spmem:s4] =	stream.indirect.scatter.add.bf16 [tilespmem:s19], [sflag:$0x4], $0x8, s18, s23, $0xb8;
	[tilespmem:$0x1E3C0] =	vst v63  }
0x3a: {  	_ =	swait.ge [sflag:s26], $0x400  }
0x3b: {  	[sflag:s26] =	ssyncset.done $0x0  }
0x3c: {  	s22 =	simm.s32 $0x100;
	[sflag:s26] =	ssyncadd.s32 $0xFFFFFC00  }
0x3d: {  	[tilespmem:s24], [sflag:$0x1] =	stream.indirect.gather [spmem:s3], $0x40, s22, s23, $0xb8;
	[tilespmem:$0x1E3C0] =	vst v63  }
0x3e: {  	_ =	swait.ge [sflag:s28], $0x2000  }
0x3f: {  	[sflag:s28] =	ssyncset.done $0x0  }
0x40: {  	s29 =	simm.s32 $0x2880;
	[sflag:s28] =	ssyncadd.s32 $0xFFFFE000  }
0x41: {  	[spmem:s1] =	stream.indirect.scatter.add.bf16 [tilespmem:s25], [sflag:$0x4], $0x40, s29, s23, $0xb8;
	[tilespmem:$0x1E3C0] =	vst v63  }
0x42: {  	_ =	swait.ge [sflag:s26], $0x2000  }
0x43: {  	[sflag:s26] =	ssyncset.done $0x0  }
0x44: {  	[sflag:s26] =	ssyncadd.s32 $0xFFFFE000  }
0x45: {  	[spmem:s4] =	stream.indirect.scatter.add.bf16 [tilespmem:s19], [sflag:$0x3], $0x8, s29, s23, $0xb8;
	[tilespmem:$0x1E3C0] =	vst v63  }
0x46: {  	_ =	swait.ge [sflag:s16], $0x400  }
0x47: {  	s0 =	simm.s32 $0x100;
	s18 =	simm.s32 $0x800;
	[sflag:s16] =	ssyncset.done $0x0  }
.LBB2_2:
0x48: {  	s22 =	sadd.s32 $0x80, s0  }
0x49: {  	[sflag:s16] =	ssyncadd.s32 $0xFFFFFC00;
	s29 =	smov.u32 s18;
	s6 =	sadd.s32 $0x400, s18  }
0x4a: {  	[tilespmem:s25], [sflag:$0x2] =	stream.indirect.gather [spmem:s3], $0x40, s22, s23, $0xb8;
	[tilespmem:$0x1E3C0] =	vst v63  }
0x4b: {  	p0 =	sne.s32 s18, $0x9800;
	_ =	swait.ge [sflag:s21], $0x2000  }
0x4c: {  	[sflag:s21] =	ssyncset.done $0x0  }
0x4d: {  	s18 =	sadd.s32 $0x2800, s0;
	[sflag:s21] =	ssyncadd.s32 $0xFFFFE000  }
0x4e: {  	[spmem:s1] =	stream.indirect.scatter.add.bf16 [tilespmem:s24], [sflag:$0x4], $0x40, s18, s23, $0xb8;
	[tilespmem:$0x1E3C0] =	vst v63  }
0x4f: {  	_ =	swait.ge [sflag:s26], $0x2000  }
0x50: {  	[sflag:s26] =	ssyncset.done $0x0  }
0x51: {  	[sflag:s26] =	ssyncadd.s32 $0xFFFFE000  }
0x52: {  	[spmem:s4] =	stream.indirect.scatter.add.bf16 [tilespmem:s19], [sflag:$0x4], $0x8, s18, s23, $0xb8;
	[tilespmem:$0x1E3C0] =	vst v63  }
0x53: {  	_ =	swait.ge [sflag:s26], $0x400  }
0x54: {  	[sflag:s26] =	ssyncset.done $0x0  }
0x55: {  	s18 =	sadd.s32 $0x100, s0;
	[sflag:s26] =	ssyncadd.s32 $0xFFFFFC00  }
0x56: {  	[tilespmem:s24], [sflag:$0x1] =	stream.indirect.gather [spmem:s3], $0x40, s18, s23, $0xb8;
	[tilespmem:$0x1E3C0] =	vst v63  }
0x57: {  	_ =	swait.ge [sflag:s28], $0x2000  }
0x58: {  	[sflag:s28] =	ssyncset.done $0x0  }
0x59: {  	s0 =	sadd.s32 $0x2880, s0;
	[sflag:s28] =	ssyncadd.s32 $0xFFFFE000  }
0x5a: {  	[spmem:s1] =	stream.indirect.scatter.add.bf16 [tilespmem:s25], [sflag:$0x4], $0x40, s0, s23, $0xb8;
	[tilespmem:$0x1E3C0] =	vst v63  }
0x5b: {  	_ =	swait.ge [sflag:s26], $0x2000  }
.Ltmp0:
0x5c: {  	[sflag:s26] =	ssyncset.done $0x0;
	(pc) =	sbr.rel @p0 .LBB2_2-.Ltmp0, $4  }
0x5d: {  	[sflag:s26] =	ssyncadd.s32 $0xFFFFE000  }
0x5e: {  	[spmem:s4] =	stream.indirect.scatter.add.bf16 [tilespmem:s19], [sflag:$0x3], $0x8, s0, s23, $0xb8;
	[tilespmem:$0x1E3C0] =	vst v63  }
0x5f: {  	_ =	swait.ge [sflag:s16], $0x400  }
0x60: {  	s18 =	smov.u32 s6;
	s0 =	sshra.s32 s29, $0x2;
	[sflag:s16] =	ssyncset.done $0x0  }
0x61: {  	s6 =	sadd.s32 $0x80, s0;
	[sflag:s16] =	ssyncadd.s32 $0xFFFFFC00  }
0x62: {  	[tilespmem:s25], [sflag:$0x2] =	stream.indirect.gather [spmem:s3], $0x40, s6, s23, $0xb8;
	[tilespmem:$0x1E3C0] =	vst v63  }
0x63: {  	_ =	swait.ge [sflag:s21], $0x2000  }
0x64: {  	[sflag:s21] =	ssyncset.done $0x0  }
0x65: {  	s29 =	sadd.s32 $0x2800, s0;
	[sflag:s21] =	ssyncadd.s32 $0xFFFFE000  }
0x66: {  	[spmem:s1] =	stream.indirect.scatter.add.bf16 [tilespmem:s24], [sflag:$0x4], $0x40, s29, s23, $0xb8;
	[tilespmem:$0x1E3C0] =	vst v63  }
0x67: {  	_ =	swait.ge [sflag:s26], $0x2000  }
0x68: {  	[sflag:s26] =	ssyncset.done $0x0  }
0x69: {  	[sflag:s26] =	ssyncadd.s32 $0xFFFFE000  }
0x6a: {  	[spmem:s4] =	stream.indirect.scatter.add.bf16 [tilespmem:s19], [sflag:$0x4], $0x8, s29, s23, $0xb8;
	[tilespmem:$0x1E3C0] =	vst v63  }
0x6b: {  	_ =	swait.ge [sflag:s26], $0x400  }
0x6c: {  	[sflag:s26] =	ssyncset.done $0x0  }
0x6d: {  	s18 =	sadd.s32 $0x100, s0;
	[sflag:s26] =	ssyncadd.s32 $0xFFFFFC00  }
0x6e: {  	[tilespmem:s24], [sflag:$0x1] =	stream.indirect.gather [spmem:s3], $0x40, s18, s23, $0xb8;
	[tilespmem:$0x1E3C0] =	vst v63  }
0x6f: {  	_ =	swait.ge [sflag:s28], $0x2000  }
0x70: {  	[sflag:s28] =	ssyncset.done $0x0  }
0x71: {  	s22 =	sadd.s32 $0x2880, s0;
	[sflag:s28] =	ssyncadd.s32 $0xFFFFE000  }
0x72: {  	[spmem:s1] =	stream.indirect.scatter.add.bf16 [tilespmem:s25], [sflag:$0x4], $0x40, s22, s23, $0xb8;
	[tilespmem:$0x1E3C0] =	vst v63  }
0x73: {  	_ =	swait.ge [sflag:s26], $0x2000  }
0x74: {  	[sflag:s26] =	ssyncset.done $0x0  }
0x75: {  	[sflag:s26] =	ssyncadd.s32 $0xFFFFE000  }
0x76: {  	[spmem:s4] =	stream.indirect.scatter.add.bf16 [tilespmem:s19], [sflag:$0x3], $0x8, s22, s23, $0xb8;
	[tilespmem:$0x1E3C0] =	vst v63  }
0x77: {  	_ =	swait.ge [sflag:s16], $0x400  }
0x78: {  	[sflag:s16] =	ssyncset.done $0x0  }
0x79: {  	s29 =	simm.s32 $0x2780;
	[sflag:s16] =	ssyncadd.s32 $0xFFFFFC00  }
0x7a: {  	[tilespmem:s25], [sflag:$0x2] =	stream.indirect.gather [spmem:s3], $0x40, s29, s23, $0xb8;
	[tilespmem:$0x1E3C0] =	vst v63  }
0x7b: {  	_ =	swait.ge [sflag:s21], $0x2000  }
0x7c: {  	[sflag:s21] =	ssyncset.done $0x0  }
0x7d: {  	[sflag:s21] =	ssyncadd.s32 $0xFFFFE000  }
0x7e: {  	[spmem:s1] =	stream.indirect.scatter.add.bf16 [tilespmem:s24], [sflag:$0x4], $0x40, s30, s23, $0xb8;
	[tilespmem:$0x1E3C0] =	vst v63  }
0x7f: {  	_ =	swait.ge [sflag:s26], $0x2000  }
0x80: {  	[sflag:s26] =	ssyncset.done $0x0  }
0x81: {  	[sflag:s26] =	ssyncadd.s32 $0xFFFFE000  }
0x82: {  	[spmem:s4] =	stream.indirect.scatter.add.bf16 [tilespmem:s19], [sflag:$0x4], $0x8, s30, s23, $0xb8;
	[tilespmem:$0x1E3C0] =	vst v63  }
0x83: {  	_ =	swait.ge [sflag:s26], $0x400  }
0x84: {  	[sflag:s26] =	ssyncset.done $0x0  }
0x85: {  	[sflag:s26] =	ssyncadd.s32 $0xFFFFFC00  }
0x86: {  	_ =	swait.ge [sflag:s28], $0x2000  }
0x87: {  	[sflag:s28] =	ssyncset.done $0x0  }
0x88: {  	[sflag:s28] =	ssyncadd.s32 $0xFFFFE000  }
0x89: {  	[spmem:s1] =	stream.indirect.scatter.add.bf16 [tilespmem:s25], [sflag:$0x4], $0x40, s31, s23, $0xb8;
	[tilespmem:$0x1E3C0] =	vst v63  }
0x8a: {  	_ =	swait.ge [sflag:s26], $0x2000  }
0x8b: {  	[sflag:s26] =	ssyncset.done $0x0  }
0x8c: {  	[sflag:s26] =	ssyncadd.s32 $0xFFFFE000  }
0x8d: {  	[spmem:s4] =	stream.indirect.scatter.add.bf16 [tilespmem:s19], [sflag:$0x3], $0x8, s31, s23, $0xb8;
	[tilespmem:$0x1E3C0] =	vst v63  }
0x8e: {  	_ =	swait.ge [sflag:s16], $0x400  }
0x8f: {  	[sflag:s16] =	ssyncset.done $0x0  }
0x90: {  	[sflag:s16] =	ssyncadd.s32 $0xFFFFFC00  }
0x91: {  	[bflag:$0x0] =	sbarrier.arrive $0xFFFF  }
0x92: {  	[hbm:s12], [sflag:s8] =	dma.local [spmem:s15], $0x13C0  }
0x93: {  	s2 =	sadd.s32 $0x1, s2;
	_ =	swait.ge [sflag:s16], $0x13C0  }
0x94: {  	p0 =	sne.s32 s2, s14;
	[sflag:s16] =	ssyncset.done $0x0  }
.Ltmp1:
0x95: {  	[sflag:s16] =	ssyncadd.s32 $0xFFFFEC40;
	(pc) =	sbr.rel @p0 .LBB2_1-.Ltmp1, $4  }
0x96: {  	[hbm:s13], [sflag:s8] =	dma.local [spmem:s20], $0x278  }
0x97: {  	_ =	swait.ge [sflag:s16], $0x278  }
0x98: {  	[sflag:s16] =	ssyncset.done $0x0  }
0x99: {  	[sflag:s16] =	ssyncadd.s32 $0xFFFFFD88  }
0x9a: {  	_ =	sfence.sel $0x180000  }
0x9b: {  	[bflag:$0x0] =	sbarrier.arrive $0xFFFF  }
0x9c: {  	_ =	strace $0x90000047  }
0x9d: {  	s0 =	stileid.u32;
	[bflag:$0x2] =	sbarrier.arrive $0xFFFF  }
0x9e: {  	p0 =	sne.s32 s0, $0x0;
	s0 =	rddreg [dreg:$0x5]  }
0x9f: {  	s0 =	sadd.s32 @!p0 $0x100000, s0  }
0xa0: {  	[sflag:s0] =	ssyncadd.tile.s32 @!p0 $0x1;
	_ =	shalt  }
.Lfunc_end2:
_tile_overlayer_lowered:
.L_overlay_start_2:
0xa1: {  	(tag) =	ssettag $0x2  }
0xa2: {  	s0 =	rddreg [dreg:$0x0];
	s2 =	stileid.u32  }
0xa3: {  	s1 =	rddreg [dreg:$0x1];
	p0 =	sne.s32 s2, $0x0  }
0xa4: {  	s3 =	rddreg [dreg:$0x2];
	[bflag:$0x3] =	sbarrier.arrive $0xFFFF;
	s2 =	simm.s32 @!p0 $0x1C03  }
0xa5: {  	[timem:s3], [sflag:s2] =	dma.local @!p0 [hbm:s0], s1  }
0xa6: {  	s0 =	simm.s32 @!p0 $0x3  }
0xa7: {  	_ =	swait.ge @!p0 [sflag:s0], s1  }
0xa8: {  	s1 =	ssub.s32 @!p0 $0x0, s1;
	[sflag:s0] =	ssyncset.done @!p0 $0x0  }
0xa9: {  	[sflag:s0] =	ssyncadd.s32 @!p0 s1  }
0xaa: {  	[bflag:$0x3] =	sbarrier.arrive $0xFFFF  }
0xab: {  	_ =	shalt  }

// kernel: kernel.9.cloned.1.call-start
scs
__scs_entry_jumppad:
0x0: {  	(pc) =	sbr.rel $0x88, $3  }
0x1: {  	(tag) =	ssettag $0x0;
	lr =	simm.s32 $0x1  }
0x2: {  	[smem:$0x3F99] =	sst lr;
	_ =	strace $0xD0000000  }
0x3: {  	_ = 	snop  }
0x4: {  	_ = 	snop  }
0x5: {  	_ = 	snop  }
0x6: {  	_ = 	snop  }
0x7: {  	_ = 	snop  }
__scs_overlays_trampoline_lowered:
0x8: {  	[smem:$0x3FA8] =	sst s0  }
0x9: {  	[smem:$0x3FA9] =	sst s1  }
0xa: {  	[smem:$0x3FAA] =	sst s2  }
0xb: {  	[smem:$0x3FAB] =	sst s3  }
0xc: {  	[smem:$0x3FAC] =	sst s4  }
0xd: {  	[smem:$0x3FAD] =	sst s5  }
0xe: {  	[smem:$0x3FAE] =	sst s6  }
0xf: {  	[smem:$0x3FAF] =	sst s7  }
0x10: {  	[smem:$0x3FB0] =	sst s8  }
0x11: {  	[smem:$0x3FB1] =	sst s9;
	s0 =	simm.s32 @!p0 $0x0  }
0x12: {  	s1 =	sld [smem:$0x3F97];
	s0 =	simm.s32 @p0 $0x1  }
0x13: {  	[smem:$0x3FB2] =	sst s0;
	s0 =	simm.s32 @!p1 $0x0  }
0x14: {  	s2 =	sld [smem:$0x3F96];
	s0 =	simm.s32 @p1 $0x1  }
0x15: {  	[smem:$0x3FB3] =	sst s0;
	s0 =	simm.s32 @!p2 $0x0  }
0x16: {  	s3 =	sld [smem:$0x3FDB];
	s0 =	simm.s32 @p2 $0x1  }
0x17: {  	s4 =	simm.s32 $0x1BF5;
	[smem:$0x3FB5] =	sst s0  }
0x18: {  	s0 =	sld [smem:$0x3F98];
	_ =	swait.ge [sflag:s4], $0x0  }
0x19: {  	s7 =	sld [smem:$0x3F99]  }
0x1a: {  	s8 =	sadd.s32 $0xFFFFE003, lr  }
0x1b: {  	s9 =	sadd.s32 $0xFFFFFEF7, lr;
	s5 =	simm.s32 $0xFFFFFFFF;
	p2 =	slt.u32 s8, $0xFFFFF086  }
0x1c: {  	p1 =	slt.u32 s9, $0xF7A;
	s5 =	simm.s32 @!p2 $0x0  }
0x1d: {  	s5 =	simm.s32 @p1 $0x1;
	p0 =	seq.s32 s7, s2  }
0x1e: {  	s7 =	smul.u32 @!p0 $0xF7A, s2;
	p2 =	seq.s32 @!p0 s5, $0x0  }
0x1f: {  	s9 =	smul.u32 $0xF7A, s1;
	s8 =	simm.s32 @!p0 $0x1BF5;
	p2 =	por !p2, p0  }
0x20: {  	[sflag:s8] =	ssyncset.s32 @!p0 $0xFFFFF086;
	s6 =	sadd.s32 @!p0 s3, s7;
	s7 =	simm.s32 @!p0 $0x108  }
0x21: {  	s3 =	sadd.s32 s3, s9;
	s6 =	sadd.s32 @!p0 $0x88, s6;
	s7 =	simm.s32 @p2 $0x1082  }
0x22: {  	[simem:s7], [sflag:s8] =	dma.local @!p0 [hbm:s6], $0xF7A  }
0x23: {  	s9 =	sor.u32 $0xD0000000, s2;
	s6 =	simm.s32 $0x108;
	_ =	swait.ge @!p0 [sflag:s8], $0x0  }
0x24: {  	s3 =	sadd.s32 $0x88, s3;
	s6 =	simm.s32 @!p1 $0x1082;
	[sflag:s4] =	ssyncset.s32 $0xFFFFF086  }
0x25: {  	[simem:s6], [sflag:s4] =	dma.local [hbm:s3], $0xF7A  }
0x26: {  	[smem:$0x3F99] =	sst s1;
	(tag) =	ssettag s2;
	_ =	strace s9  }
0x27: {  	s1 =	sld [smem:$0x3FA9]  }
0x28: {  	s2 =	sld [smem:$0x3FAA]  }
0x29: {  	s4 =	sld [smem:$0x3FAC]  }
0x2a: {  	p0 =	seq.s32 s5, $0x0;
	s5 =	sld [smem:$0x3FAD]  }
0x2b: {  	s6 =	sld [smem:$0x3FAE]  }
0x2c: {  	s7 =	sld [smem:$0x3FAF]  }
0x2d: {  	s3 =	simm.s32 $0x108;
	s8 =	sld [smem:$0x3FB0]  }
0x2e: {  	s3 =	simm.s32 @!p0 $0x1082;
	s9 =	sld [smem:$0x3FB1]  }
0x2f: {  	lr =	sadd.s32 s0, s3;
	s0 =	sld [smem:$0x3FA8]  }
0x30: {  	s3 =	sld [smem:$0x3FAB]  }
0x31: {  	[smem:$0x3FB4] =	sst s10  }
0x32: {  	s10 =	sld [smem:$0x3FB2];
	_ =	sdelay $0x3  }
0x33: {  	p0 =	seq.s32 s10, $0x1;
	s10 =	sld [smem:$0x3FB4];
	_ =	sdelay $0x3  }
0x34: {  	[smem:$0x3FB4] =	sst s10  }
0x35: {  	s10 =	sld [smem:$0x3FB3];
	_ =	sdelay $0x3  }
0x36: {  	p1 =	seq.s32 s10, $0x1;
	s10 =	sld [smem:$0x3FB4];
	_ =	sdelay $0x3  }
0x37: {  	[smem:$0x3FB4] =	sst s10  }
0x38: {  	s10 =	sld [smem:$0x3FB5]  }
0x39: {  	_ = 	snop;
	(pc) =	sbr.ind lr, $3  }
0x3a: {  	_ = 	snop  }
0x3b: {  	_ = 	snop  }
0x3c: {  	p2 =	seq.s32 s10, $0x1;
	s10 =	sld [smem:$0x3FB4]  }
0x3d: {  	_ =	shalt  }
0x3e: {  	_ =	shalt  }
0x3f: {  	_ =	shalt  }
0x40: {  	_ =	shalt  }
0x41: {  	_ =	shalt  }
0x42: {  	_ =	shalt  }
0x43: {  	_ =	shalt  }
0x44: {  	_ =	shalt  }
0x45: {  	_ =	shalt  }
0x46: {  	_ =	shalt  }
0x47: {  	_ =	shalt  }
0x48: {  	_ =	shalt  }
0x49: {  	_ =	shalt  }
0x4a: {  	_ =	shalt  }
0x4b: {  	_ =	shalt  }
0x4c: {  	_ =	shalt  }
0x4d: {  	_ =	shalt  }
0x4e: {  	_ =	shalt  }
0x4f: {  	_ =	shalt  }
0x50: {  	_ =	shalt  }
0x51: {  	_ =	shalt  }
0x52: {  	_ =	shalt  }
0x53: {  	_ =	shalt  }
0x54: {  	_ =	shalt  }
0x55: {  	_ =	shalt  }
0x56: {  	_ =	shalt  }
0x57: {  	_ =	shalt  }
0x58: {  	_ =	shalt  }
0x59: {  	_ =	shalt  }
0x5a: {  	_ =	shalt  }
0x5b: {  	_ =	shalt  }
0x5c: {  	_ =	shalt  }
0x5d: {  	_ =	shalt  }
0x5e: {  	_ =	shalt  }
0x5f: {  	_ =	shalt  }
0x60: {  	_ =	shalt  }
0x61: {  	_ =	shalt  }
0x62: {  	_ =	shalt  }
0x63: {  	_ =	shalt  }
0x64: {  	_ =	shalt  }
0x65: {  	_ =	shalt  }
0x66: {  	_ =	shalt  }
0x67: {  	_ =	shalt  }
0x68: {  	_ =	shalt  }
0x69: {  	_ =	shalt  }
0x6a: {  	_ =	shalt  }
0x6b: {  	_ =	shalt  }
0x6c: {  	_ =	shalt  }
0x6d: {  	_ =	shalt  }
0x6e: {  	_ =	shalt  }
0x6f: {  	_ =	shalt  }
0x70: {  	_ =	shalt  }
0x71: {  	_ =	shalt  }
0x72: {  	_ =	shalt  }
0x73: {  	_ =	shalt  }
0x74: {  	_ =	shalt  }
0x75: {  	_ =	shalt  }
0x76: {  	_ =	shalt  }
0x77: {  	_ =	shalt  }
0x78: {  	_ =	shalt  }
0x79: {  	_ =	shalt  }
0x7a: {  	_ =	shalt  }
0x7b: {  	_ =	shalt  }
0x7c: {  	_ =	shalt  }
0x7d: {  	_ =	shalt  }
0x7e: {  	_ =	shalt  }
0x7f: {  	_ =	shalt  }
0x80: {  	_ =	shalt  }
0x81: {  	_ =	shalt  }
0x82: {  	_ =	shalt  }
0x83: {  	_ =	shalt  }
0x84: {  	_ =	shalt  }
0x85: {  	_ =	shalt  }
0x86: {  	_ =	shalt  }
0x87: {  	_ =	shalt  }
.Lfunc_end0:
.L_simem_size_0:
called_computation.1_lowered:
.L_overlay_start_0:
0x88: {  	s2 =	sld [smem:$0x3FD9]  }
0x89: {  	s3 =	sld [smem:$0x3FFE];
	_ =	sdelay $0x1  }
0x8a: {  	s1 =	srdreg.scid  }
0x8b: {  	s0 =	sand.u32 $0x1, s1  }
0x8c: {  	s17 =	sshll.u32 s0, $0xA;
	s2 =	sadd.s32 s3, s2  }
0x8d: {  	s2 =	sadd.s32 s2, s17  }
0x8e: {  	[smem:$0x3FC0] =	sst s2  }
0x8f: {  	_ = 	snop  }
0x90: {  	s2 =	sld [smem:$0x3FD0];
	(tm) =	ssettm $0x1  }
0x91: {  	s18 =	sld [smem:$0x3FFB];
	_ =	sdelay $0x3  }
0x92: {  	_ =	strace s18  }
0x93: {  	s3 =	sld [smem:$0x3FFC];
	_ =	sdelay $0x3  }
0x94: {  	_ =	strace s3  }
0x95: {  	s3 =	sld [smem:$0x3FFD];
	_ =	sdelay $0x3  }
0x96: {  	_ =	strace s3  }
0x97: {  	_ =	strace $0x8FFFFFFF  }
0x98: {  	s19 =	sld [smem:$0x3FDB];
	_ =	sdelay $0x1  }
0x99: {  	s4 =	simm.s32 $_scs_section_size  }
0x9a: {  	s5 =	simm.s32 $_size__tile_overlayer_lowered;
	s6 =	simm.s32 $_tile_overlayer_lowered  }
0x9b: {  	s22 =	simm.s32 $0x1BFF;
	s21 =	sshll.u32 s6, $0x1;
	s3 =	sadd.s32 s4, s19  }
0x9c: {  	s7 =	simm.s32 $0x0;
	s20 =	sshll.u32 s5, $0x1;
	s5 =	sadd.s32 s21, s3  }
0x9d: {  	[timem:s7], [sflag:s22] =	dma.local [hbm:s5], s20  }
0x9e: {  	_ =	swait.ge [sflag:s22], s20  }
0x9f: {  	s4 =	ssub.s32 $0x0, s20;
	[sflag:s22] =	ssyncset.done $0x0  }
0xa0: {  	[sflag:s22] =	ssyncadd.s32 s4;
	_ =	sdelay $0x1  }
0xa1: {  	s23 =	simm.s32 $0x1B8B  }
0xa2: {  	_ =	swait.ge [sflag:s23], $0x1  }
0xa3: {  	[sflag:s23] =	ssyncset.done $0x0  }
0xa4: {  	s25 =	simm.s32 $0x1B8E;
	s24 =	sld [smem:$0x3FFE];
	[sflag:s23] =	ssyncadd.s32 $0xFFFFFFFF  }
0xa5: {  	s26 =	simm.s32 $execute0_lowered;
	[smem:$0x3FD2] =	sst s25  }
0xa6: {  	s5 =	sshll.u32 s26, $0x1;
	_ =	strace $0x80000049;
	[dreg:$0x1] =	wrdreg $0xFFFFFFFF  }
0xa7: {  	s28 =	simm.s32 $_size_execute0_lowered;
	s3 =	sadd.s32 s3, s5;
	[dreg:$0x0] =	wrdreg $0x0  }
0xa8: {  	s5 =	sshll.u32 s28, $0x1;
	[dreg:$0x2] =	wrdreg s3  }
0xa9: {  	[dreg:$0x3] =	wrdreg s5  }
0xaa: {  	[dreg:$0x4] =	wrdreg $0xC0  }
0xab: {  	_ =	task [dreg:s7], $0x5FFFF  }
0xac: {  	[dreg:$0x1] =	wrdreg $0xFFFFFFFF  }
0xad: {  	[dreg:$0x0] =	wrdreg $0x60  }
0xae: {  	[dreg:$0x2] =	wrdreg s24  }
0xaf: {  	[dreg:$0x3] =	wrdreg s2  }
0xb0: {  	[dreg:$0x4] =	wrdreg $0x70000  }
0xb1: {  	[dreg:$0x5] =	wrdreg $0xBF000  }
0xb2: {  	[dreg:$0x6] =	wrdreg $0x9  }
0xb3: {  	_ =	task.clear_ibuf [dreg:s7], $0x7FFFF;
	_ =	strace $0x90000049  }
0xb4: {  	s29 =	simm.s32 $0x9;
	_ =	strace $0x8000004B  }
0xb5: {  	_ =	swait.ge [sflag:s29], $0x1  }
0xb6: {  	[sflag:s29] =	ssyncadd.s32 $0xFFFFFFFF  }
0xb7: {  	_ =	strace $0x9000004B  }
0xb8: {  	_ =	sfence  }
0xb9: {  	s30 =	sld [smem:$0x0];
	_ =	sdelay $0x2  }
0xba: {  	s31 =	sshll.u32 s1, $0xD;
	s1 =	sshrl.u32 s1, $0x2  }
0xbb: {  	s3 =	sand.u32 $0x4000, s31;
	s1 =	sadd.s32 s1, s30  }
0xbc: {  	s0 =	sor.u32 s3, s0;
	s1 =	sshll.u32 s1, $0x11  }
0xbd: {  	s0 =	sor.u32 s1, s0  }
0xbe: {  	s0 =	sadd.s32 $0x8F2B, s0  }
0xbf: {  	[sflag:s0] =	ssyncadd.remote.s32 $0x1  }
0xc0: {  	_ =	sfence.sel $0xFFFF  }
0xc1: {  	[dreg:$0x0] =	wrdreg $0xFFFFFFFF;
	(pc) =	sbr.abs _section_cstart, $3  }
0xc2: {  	[dreg:$0x1] =	wrdreg $0xFFFFFFFF  }
0xc3: {  	_ =	task.clear_ibuf [dreg:s7], $0x2FFFF;
	_ =	strace $0x9FFFFFFF  }
0xc4: {  	(tm) =	ssettm $0x7FFFFFFF  }
0xc5: {  	_ =	shalt  }
tec
execute0_lowered:
.L_overlay_start_1:
0x0: {  	(tag) =	ssettag $0x1  }
0x1: {  	s5 =	rddreg [dreg:$0x0]  }
0x2: {  	s10 =	rddreg [dreg:$0x1]  }
0x3: {  	s1 =	rddreg [dreg:$0x2];
	s0 =	srdreg.scid  }
0x4: {  	s3 =	rddreg [dreg:$0x3];
	s2 =	stileid.u32;
	s4 =	simm.s32 $0x0  }
0x5: {  	s15 =	simm.s32 $0x8;
	s16 =	simm.s32 $0x3;
	s18 =	simm.s32 $0x2800  }
0x6: {  	s19 =	simm.s32 $0x80;
	s20 =	simm.s32 $0x5000;
	s21 =	simm.s32 $0x6000  }
0x7: {  	s22 =	simm.s32 $0x2;
	s23 =	simm.s32 $0x2780;
	s24 =	simm.s32 $0x4F00  }
0x8: {  	s25 =	simm.s32 $0x4F80;
	s6 =	sand.u32 $0x1, s0;
	s8 =	smul.u32 $0x9E00, s2  }
0x9: {  	[smem:$0x7FF] =	sst s4;
	s11 =	smul.u32 $0x13C0, s2;
	s31 =	sshll.u32 s2, $0x6  }
0xa: {  	s7 =	sshll.u32 s6, $0x4;
	_ =	strace $0x8000004A;
	s12 =	ssub.s32 $0x2, s6  }
0xb: {  	s30 =	smul.u32 $0x9E000, s6;
	s6 =	sor.u32 $0x1C03, s31;
	s7 =	sor.u32 s2, s7  }
0xc: {  	s9 =	sshrl.u32 s8, $0x4;
	s26 =	sshrl.u32 s12, $0x1;
	s29 =	sshrl.u32 s8, $0x1  }
0xd: {  	s7 =	smul.u32 $0x2800, s7;
	s9 =	sadd.s32 s9, s5;
	s28 =	ssub.s32 s12, s26  }
0xe: {  	s14 =	sadd.s32 s29, s1;
	s17 =	sadd.s32 s29, s3;
	s12 =	sadd.s32 s8, s30  }
0xf: {  	s26 =	simm.s32 $0x0;
	s12 =	sshrl.u32 s12, $0x4;
	s17 =	sshrl.u32 s17, $0x3  }
0x10: {  	s7 =	sshrl.u32 s7, $0x3;
	s10 =	sadd.s32 s10, s12;
	s12 =	sshrl.u32 s14, $0x3  }
0x11: {  	s14 =	simm.s32 $0x4;
	s13 =	sadd.s32 s7, s5;
	s5 =	sadd.s32 s11, s5  }
0x12: {  	s7 =	sadd.s32 $0x52400, s9;
	s11 =	smax.u32 s28, $0x1;
	s5 =	sadd.s32 $0x3000, s5  }
0x13: {  	s8 =	sadd.s32 $0x16C00, s13;
	s9 =	sadd.s32 $0x20C00, s13;
	s13 =	simm.s32 $0x1  }
.LBB2_1:
0x14: {  	[spmem:s12@s14], [sflag:s6] =	dma.strided [hbm:s5@s15], $0x9E0, s13, $0x4   }
0x15: {  	_ =	swait.ge [sflag:s16], $0x9E0  }
0x16: {  	[sflag:s16] =	ssyncset.done $0x0  }
0x17: {  	[sflag:s16] =	ssyncadd.s32 $0xFFFFF620  }
0x18: {  	[spmem:s17], [sflag:s6] =	dma.local [hbm:s7], $0x9E0  }
0x19: {  	_ =	swait.ge [sflag:s16], $0x9E0  }
0x1a: {  	[sflag:s16] =	ssyncset.done $0x0  }
0x1b: {  	[sflag:s16] =	ssyncadd.s32 $0xFFFFF620  }
0x1c: {  	[tilespmem:s4], [sflag:$0x3] =	stream.linear.gather [hbm4b:s8+s4], $0x2800, $0x38;
	[tilespmem:$0x10E00] =	vst v63  }
0x1d: {  	_ =	swait.ge [sflag:s16], $0x2800  }
0x1e: {  	[sflag:s16] =	ssyncset.done $0x0  }
0x1f: {  	[sflag:s16] =	ssyncadd.s32 $0xFFFFD800  }
0x20: {  	[tilespmem:s18], [sflag:$0x3] =	stream.linear.gather [hbm4b:s9+s4], $0x2800, $0x38;
	[tilespmem:$0x10E00] =	vst v63  }
0x21: {  	_ =	swait.ge [sflag:s16], $0x2800  }
0x22: {  	[sflag:s16] =	ssyncset.done $0x0  }
0x23: {  	[sflag:s16] =	ssyncadd.s32 $0xFFFFD800  }
0x24: {  	[bflag:$0x0] =	sbarrier.arrive $0xFFFF  }
0x25: {  	[tilespmem:s20], [sflag:$0x1] =	stream.indirect.gather [spmem:s3], $0x20, s4, s19, $0xb8;
	[tilespmem:$0x10E00] =	vst v63  }
0x26: {  	s28 =	simm.s32 $0x80  }
0x27: {  	[tilespmem:s21], [sflag:$0x2] =	stream.indirect.gather [spmem:s3], $0x20, s28, s19, $0xb8;
	[tilespmem:$0x10E00] =	vst v63  }
0x28: {  	_ =	swait.ge [sflag:s13], $0x1000  }
0x29: {  	[sflag:s13] =	ssyncset.done $0x0  }
0x2a: {  	s28 =	simm.s32 $0x2800;
	[sflag:s13] =	ssyncadd.s32 $0xFFFFF000  }
0x2b: {  	[spmem:s1] =	stream.indirect.scatter.add.bf16 [tilespmem:s20], [sflag:$0x4], $0x20, s28, s19, $0xb8;
	[tilespmem:$0x10E00] =	vst v63  }
0x2c: {  	_ =	swait.ge [sflag:s14], $0x1000  }
0x2d: {  	[sflag:s14] =	ssyncset.done $0x0  }
0x2e: {  	s28 =	simm.s32 $0x100;
	[sflag:s14] =	ssyncadd.s32 $0xFFFFF000  }
0x2f: {  	[tilespmem:s20], [sflag:$0x1] =	stream.indirect.gather [spmem:s3], $0x20, s28, s19, $0xb8;
	[tilespmem:$0x10E00] =	vst v63  }
0x30: {  	_ =	swait.ge [sflag:s22], $0x1000  }
0x31: {  	[sflag:s22] =	ssyncset.done $0x0  }
0x32: {  	s28 =	simm.s32 $0x2880;
	[sflag:s22] =	ssyncadd.s32 $0xFFFFF000  }
0x33: {  	[spmem:s1] =	stream.indirect.scatter.add.bf16 [tilespmem:s21], [sflag:$0x3], $0x20, s28, s19, $0xb8;
	[tilespmem:$0x10E00] =	vst v63  }
0x34: {  	_ =	swait.ge [sflag:s16], $0x1000  }
0x35: {  	s29 =	simm.s32 $0x800;
	s28 =	simm.s32 $0x100;
	[sflag:s16] =	ssyncset.done $0x0  }
.LBB2_2:
0x36: {  	s30 =	sadd.s32 $0x80, s28  }
0x37: {  	[sflag:s16] =	ssyncadd.s32 $0xFFFFF000;
	s31 =	smov.u32 s29;
	s0 =	sadd.s32 $0x400, s29  }
0x38: {  	[tilespmem:s21], [sflag:$0x2] =	stream.indirect.gather [spmem:s3], $0x20, s30, s19, $0xb8;
	[tilespmem:$0x10E00] =	vst v63  }
0x39: {  	p0 =	sne.s32 s29, $0x9800;
	_ =	swait.ge [sflag:s13], $0x1000  }
0x3a: {  	[sflag:s13] =	ssyncset.done $0x0  }
0x3b: {  	s29 =	sadd.s32 $0x2800, s28;
	[sflag:s13] =	ssyncadd.s32 $0xFFFFF000  }
0x3c: {  	[spmem:s1] =	stream.indirect.scatter.add.bf16 [tilespmem:s20], [sflag:$0x4], $0x20, s29, s19, $0xb8;
	[tilespmem:$0x10E00] =	vst v63  }
0x3d: {  	_ =	swait.ge [sflag:s14], $0x1000  }
0x3e: {  	[sflag:s14] =	ssyncset.done $0x0  }
0x3f: {  	s29 =	sadd.s32 $0x100, s28;
	[sflag:s14] =	ssyncadd.s32 $0xFFFFF000  }
0x40: {  	[tilespmem:s20], [sflag:$0x1] =	stream.indirect.gather [spmem:s3], $0x20, s29, s19, $0xb8;
	[tilespmem:$0x10E00] =	vst v63  }
0x41: {  	_ =	swait.ge [sflag:s22], $0x1000  }
.Ltmp0:
0x42: {  	[sflag:s22] =	ssyncset.done $0x0;
	(pc) =	sbr.rel @p0 .LBB2_2-.Ltmp0, $4  }
0x43: {  	s28 =	sadd.s32 $0x2880, s28;
	[sflag:s22] =	ssyncadd.s32 $0xFFFFF000  }
0x44: {  	[spmem:s1] =	stream.indirect.scatter.add.bf16 [tilespmem:s21], [sflag:$0x3], $0x20, s28, s19, $0xb8;
	[tilespmem:$0x10E00] =	vst v63  }
0x45: {  	_ =	swait.ge [sflag:s16], $0x1000  }
0x46: {  	s29 =	smov.u32 s0;
	s28 =	sshra.s32 s31, $0x2;
	[sflag:s16] =	ssyncset.done $0x0  }
0x47: {  	s0 =	sadd.s32 $0x80, s28;
	[sflag:s16] =	ssyncadd.s32 $0xFFFFF000  }
0x48: {  	[tilespmem:s21], [sflag:$0x2] =	stream.indirect.gather [spmem:s3], $0x20, s0, s19, $0xb8;
	[tilespmem:$0x10E00] =	vst v63  }
0x49: {  	_ =	swait.ge [sflag:s13], $0x1000  }
0x4a: {  	[sflag:s13] =	ssyncset.done $0x0  }
0x4b: {  	s29 =	sadd.s32 $0x2800, s28;
	[sflag:s13] =	ssyncadd.s32 $0xFFFFF000  }
0x4c: {  	[spmem:s1] =	stream.indirect.scatter.add.bf16 [tilespmem:s20], [sflag:$0x4], $0x20, s29, s19, $0xb8;
	[tilespmem:$0x10E00] =	vst v63  }
0x4d: {  	_ =	swait.ge [sflag:s14], $0x1000  }
0x4e: {  	[sflag:s14] =	ssyncset.done $0x0  }
0x4f: {  	s30 =	sadd.s32 $0x100, s28;
	[sflag:s14] =	ssyncadd.s32 $0xFFFFF000  }
0x50: {  	[tilespmem:s20], [sflag:$0x1] =	stream.indirect.gather [spmem:s3], $0x20, s30, s19, $0xb8;
	[tilespmem:$0x10E00] =	vst v63  }
0x51: {  	_ =	swait.ge [sflag:s22], $0x1000  }
0x52: {  	[sflag:s22] =	ssyncset.done $0x0  }
0x53: {  	s31 =	sadd.s32 $0x2880, s28;
	[sflag:s22] =	ssyncadd.s32 $0xFFFFF000  }
0x54: {  	[spmem:s1] =	stream.indirect.scatter.add.bf16 [tilespmem:s21], [sflag:$0x3], $0x20, s31, s19, $0xb8;
	[tilespmem:$0x10E00] =	vst v63  }
0x55: {  	_ =	swait.ge [sflag:s16], $0x1000  }
0x56: {  	[sflag:s16] =	ssyncset.done $0x0  }
0x57: {  	[sflag:s16] =	ssyncadd.s32 $0xFFFFF000  }
0x58: {  	[tilespmem:s21], [sflag:$0x2] =	stream.indirect.gather [spmem:s3], $0x20, s23, s19, $0xb8;
	[tilespmem:$0x10E00] =	vst v63  }
0x59: {  	_ =	swait.ge [sflag:s13], $0x1000  }
0x5a: {  	[sflag:s13] =	ssyncset.done $0x0  }
0x5b: {  	[sflag:s13] =	ssyncadd.s32 $0xFFFFF000  }
0x5c: {  	[spmem:s1] =	stream.indirect.scatter.add.bf16 [tilespmem:s20], [sflag:$0x4], $0x20, s24, s19, $0xb8;
	[tilespmem:$0x10E00] =	vst v63  }
0x5d: {  	_ =	swait.ge [sflag:s14], $0x1000  }
0x5e: {  	[sflag:s14] =	ssyncset.done $0x0  }
0x5f: {  	[sflag:s14] =	ssyncadd.s32 $0xFFFFF000  }
0x60: {  	_ =	swait.ge [sflag:s22], $0x1000  }
0x61: {  	[sflag:s22] =	ssyncset.done $0x0  }
0x62: {  	[sflag:s22] =	ssyncadd.s32 $0xFFFFF000  }
0x63: {  	[spmem:s1] =	stream.indirect.scatter.add.bf16 [tilespmem:s21], [sflag:$0x3], $0x20, s25, s19, $0xb8;
	[tilespmem:$0x10E00] =	vst v63  }
0x64: {  	_ =	swait.ge [sflag:s16], $0x1000  }
0x65: {  	s26 =	sadd.s32 $0x1, s26;
	[sflag:s16] =	ssyncset.done $0x0  }
0x66: {  	p0 =	sne.s32 s26, s11;
	[sflag:s16] =	ssyncadd.s32 $0xFFFFF000  }
.Ltmp1:
0x67: {  	[bflag:$0x0] =	sbarrier.arrive $0xFFFF;
	(pc) =	sbr.rel @p0 .LBB2_1-.Ltmp1, $4  }
0x68: {  	[hbm:s10], [sflag:s6] =	dma.local [spmem:s12], $0x9E0  }
0x69: {  	_ =	swait.ge [sflag:s16], $0x9E0  }
0x6a: {  	[sflag:s16] =	ssyncset.done $0x0  }
0x6b: {  	[sflag:s16] =	ssyncadd.s32 $0xFFFFF620  }
0x6c: {  	_ =	sfence.sel $0x180000  }
0x6d: {  	[bflag:$0x0] =	sbarrier.arrive $0xFFFF  }
0x6e: {  	_ =	strace $0x9000004A  }
0x6f: {  	[bflag:$0x2] =	sbarrier.arrive $0xFFFF  }
0x70: {  	p0 =	sne.s32 s2, $0x0;
	s0 =	rddreg [dreg:$0x4]  }
0x71: {  	s0 =	sadd.s32 @!p0 $0x100000, s0  }
0x72: {  	[sflag:s0] =	ssyncadd.tile.s32 @!p0 $0x1;
	_ =	shalt  }
.Lfunc_end2:
_tile_overlayer_lowered:
.L_overlay_start_2:
0x73: {  	(tag) =	ssettag $0x2  }
0x74: {  	s0 =	rddreg [dreg:$0x0];
	s2 =	stileid.u32  }
0x75: {  	s1 =	rddreg [dreg:$0x1];
	p0 =	sne.s32 s2, $0x0  }
0x76: {  	s3 =	rddreg [dreg:$0x2];
	[bflag:$0x3] =	sbarrier.arrive $0xFFFF;
	s2 =	simm.s32 @!p0 $0x1C03  }
0x77: {  	[timem:s3], [sflag:s2] =	dma.local @!p0 [hbm:s0], s1  }
0x78: {  	s0 =	simm.s32 @!p0 $0x3  }
0x79: {  	_ =	swait.ge @!p0 [sflag:s0], s1  }
0x7a: {  	s1 =	ssub.s32 @!p0 $0x0, s1;
	[sflag:s0] =	ssyncset.done @!p0 $0x0  }
0x7b: {  	[sflag:s0] =	ssyncadd.s32 @!p0 s1  }
0x7c: {  	[bflag:$0x3] =	sbarrier.arrive $0xFFFF  }
0x7d: {  	_ =	shalt  }

</sc_bundles>
